<compile_context>
chip_gen: v7x
topology: tpu7x:2x2x1
jax: 0.10.2.dev20260603
libtpu: 0.0.44.dev20260713+nightly
codegen_flags: <defaults>
</compile_context>

<pallas_src>
import jax
import jax.numpy as jnp
from jax import lax
from jax.experimental import pallas as pl
from jax.experimental.pallas import tpu as pltpu
from jax.experimental.pallas import tpu_sc as plsc

BATCH, SEQ, D = 4, 4096, 2048
NC, NS = 2, 16
NW = NC * NS
SEQ_PER_W = SEQ // NW
CS = 4
NCHUNK = SEQ_PER_W // CS
NBUF = 3
LANES = 16
VPR = D // LANES


def _sc_body(x_hbm, emb_hbm, out_hbm, xbuf, ebuf, insem, outsem):
    wid = lax.axis_index("s") * NC + lax.axis_index("c")
    s_base = wid * SEQ_PER_W

    def in_copies(ci, k):
        s0 = s_base + ci * CS
        return (
            pltpu.make_async_copy(
                x_hbm.at[:, pl.ds(s0, CS)], xbuf.at[k], insem.at[k]
            ),
            pltpu.make_async_copy(
                emb_hbm.at[pl.ds(s0, CS)], ebuf.at[k], insem.at[k]
            ),
        )

    def out_copy(ci, k):
        s0 = s_base + ci * CS
        return pltpu.make_async_copy(
            xbuf.at[k], out_hbm.at[:, pl.ds(s0, CS)], outsem.at[k]
        )

    def start_in(ci, k):
        for c in in_copies(ci, k):
            c.start()

    def wait_in(ci, k):
        for c in in_copies(ci, k):
            c.wait()

    def compute(k):
        @plsc.parallel_loop(0, VPR, step=1, unroll=4)
        def vec(j):
            off = j * LANES
            for s in range(CS):
                e = ebuf[k, s, pl.ds(off, LANES)]
                for b in range(BATCH):
                    xbuf[k, b, s, pl.ds(off, LANES)] = (
                        xbuf[k, b, s, pl.ds(off, LANES)] + e
                    )

    start_in(0, 0)

    def step(ci, carry):
        k = lax.rem(ci, NBUF)
        kn = lax.rem(ci + 1, NBUF)

        @pl.when(jnp.logical_and(ci + 1 < NCHUNK, ci >= NBUF - 1))
        def _():
            out_copy(ci + 1 - NBUF, kn).wait()

        @pl.when(ci + 1 < NCHUNK)
        def _():
            start_in(ci + 1, kn)

        wait_in(ci, k)
        compute(k)
        out_copy(ci, k).start()
        return carry

    lax.fori_loop(0, NCHUNK, step, 0)
    for ci in range(NCHUNK - NBUF, NCHUNK):
        out_copy(ci, ci % NBUF).wait()


def kernel(x, embedding):
    mesh = plsc.VectorSubcoreMesh(
        core_axis_name="c", subcore_axis_name="s", num_cores=NC, num_subcores=NS
    )
    f = pl.kernel(
        _sc_body,
        jax.ShapeDtypeStruct((BATCH, SEQ, D), jnp.float32),
        mesh=mesh,
        scratch_types=[
            pltpu.VMEM((NBUF, BATCH, CS, D), jnp.float32),
            pltpu.VMEM((NBUF, CS, D), jnp.float32),
            pltpu.SemaphoreType.DMA((NBUF,)),
            pltpu.SemaphoreType.DMA((NBUF,)),
        ],
    )
    return f(x, embedding)

# --- scband reference (transcript-rebuilt; emitter-appended) ---
"""Pipeline reference for scband-learned-positional-encoding-24773371363840 (READ-ONLY COPY).

The authoritative reference and input builder live on the scoring server;
editing this copy changes nothing except your own understanding.
"""

import jax, jax.numpy as jnp
import numpy as np

D_MODEL = 2048
MAX_SEQ_LENGTH = 8192
BATCH = 4
SEQ_LEN = 4096


def setup_inputs(seed: int = 0) -> dict:
    key = jax.random.key(seed)
    k_x, k_emb = jax.random.split(key)
    x = jax.random.normal(k_x, (BATCH, SEQ_LEN, D_MODEL), dtype=jnp.float32)
    # nn.Embedding default init: N(0, 1)
    embedding = jax.random.normal(k_emb, (MAX_SEQ_LENGTH, D_MODEL), dtype=jnp.float32)
    return {"x": x, "embedding": embedding}


def reference(x, embedding):
    # positions = arange(seq_len)[None, :]
    seq_len = x.shape[1]
    positions = jnp.arange(seq_len)
    # embedding lookup: gather rows of the table -> (seq_len, d_model)
    pos_emb = jnp.take(embedding, positions, axis=0)
    # broadcast add over batch; dropout=0.0 (eval mode) is identity
    out = x + pos_emb[None, :, :]
    return out

if __name__ == "__main__":
    import jax
    _d = setup_inputs()
    print(jax.jit(kernel)(*tuple(_d.values())))

</pallas_src>

<mosaic_0001>
#map = affine_map<(d0, d1) -> (0, 0, 0)>
#map1 = affine_map<(d0, d1) -> (0, 0)>
module attributes {stable_mosaic.version = 14 : i64} {
  func.func @_sc_body(%arg0: i32, %arg1: i32, %arg2: memref<4x4096x2048xf32, #tpu.memory_space<hbm>>, %arg3: memref<8192x2048xf32, #tpu.memory_space<hbm>>, %arg4: memref<4x4096x2048xf32, #tpu.memory_space<hbm>>, %arg5: memref<3x4x4x2048xf32, #tpu.memory_space<vmem>>, %arg6: memref<3x4x2048xf32, #tpu.memory_space<vmem>>, %arg7: memref<3x!tpu.dma_semaphore, #tpu.memory_space<semaphore_mem>>, %arg8: memref<3x!tpu.dma_semaphore, #tpu.memory_space<semaphore_mem>>) attributes {dimension_semantics = [#tpu.dimension_semantics<core_parallel>, #tpu.dimension_semantics<subcore_parallel>], iteration_bounds = array<i64: 2, 16>, scalar_prefetch = 0 : i64, scratch_operands = 4 : i64, tpu.core_type = #tpu.core_type<sc_vector_subcore>, window_params = [{transform_indices = #map}, {transform_indices = #map1}, {transform_indices = #map}]} {
    %mul3A = arith.constant 2 : i32
    %mul3A_0 = arith.muli %arg1, %mul3A : i32
    %add3A = arith.addi %mul3A_0, %arg0 : i32
    %mul3A_1 = arith.constant 128 : i32
    %mul3A_2 = arith.muli %add3A, %mul3A_1 : i32
    %add3A_3 = arith.constant 0 : i32
    %add3A_4 = arith.addi %mul3A_2, %add3A_3 : i32
    %dma_start3A = arith.constant 0 : i32
    %dma_start3A_5 = arith.constant 0 : i32
    %dma_start3A_6 = arith.constant 0 : i32
    %dma_start3A_7 = arith.constant 0 : i32
    %dma_start3A_8 = arith.constant 0 : i32
    %dma_start3A_9 = tpu.memref_slice %arg5[%dma_start3A, %dma_start3A_6, %dma_start3A_7, %dma_start3A_8] : memref<3x4x4x2048xf32, #tpu.memory_space<vmem>> -> memref<1x4x4x2048xf32, #tpu.memory_space<vmem>>
    %dma_start3A_10 = tpu.memref_squeeze %dma_start3A_9 : memref<1x4x4x2048xf32, #tpu.memory_space<vmem>> -> memref<4x4x2048xf32, #tpu.memory_space<vmem>>
    %dma_start3A_11 = arith.constant 0 : i32
    %dma_start3A_12 = arith.constant 0 : i32
    %dma_start3A_13 = tpu.memref_slice %arg2[%dma_start3A_11, %add3A_4, %dma_start3A_12] : memref<4x4096x2048xf32, #tpu.memory_space<hbm>> -> memref<4x4x2048xf32, #tpu.memory_space<hbm>>
    %dma_start3A_14 = tpu.memref_slice %arg7[%dma_start3A_5] : memref<3x!tpu.dma_semaphore, #tpu.memory_space<semaphore_mem>> -> memref<1x!tpu.dma_semaphore, #tpu.memory_space<semaphore_mem>>
    %dma_start3A_15 = tpu.memref_squeeze %dma_start3A_14 : memref<1x!tpu.dma_semaphore, #tpu.memory_space<semaphore_mem>> -> memref<!tpu.dma_semaphore, #tpu.memory_space<semaphore_mem>>
    %dma_start3A_16 = arith.constant 0 : i32
    %dma_start3A_17 = arith.constant 0 : i32
    %dma_start3A_18 = arith.constant 0 : i32
    %dma_start3A_19 = tpu.memref_slice %arg5[%dma_start3A, %dma_start3A_16, %dma_start3A_17, %dma_start3A_18] : memref<3x4x4x2048xf32, #tpu.memory_space<vmem>> -> memref<1x4x4x2048xf32, #tpu.memory_space<vmem>>
    %dma_start3A_20 = tpu.memref_squeeze %dma_start3A_19 : memref<1x4x4x2048xf32, #tpu.memory_space<vmem>> -> memref<4x4x2048xf32, #tpu.memory_space<vmem>>
    %dma_start3A_21 = arith.constant 0 : i32
    %dma_start3A_22 = arith.constant 0 : i32
    %dma_start3A_23 = tpu.memref_slice %arg2[%dma_start3A_21, %add3A_4, %dma_start3A_22] : memref<4x4096x2048xf32, #tpu.memory_space<hbm>> -> memref<4x4x2048xf32, #tpu.memory_space<hbm>>
    tpu.enqueue_dma source(%dma_start3A_23 : memref<4x4x2048xf32, #tpu.memory_space<hbm>>) target(%dma_start3A_20 : memref<4x4x2048xf32, #tpu.memory_space<vmem>>) target_semaphore(%dma_start3A_15 : memref<!tpu.dma_semaphore, #tpu.memory_space<semaphore_mem>>)
    %dma_start3A_24 = arith.constant 0 : i32
    %dma_start3A_25 = arith.constant 0 : i32
    %dma_start3A_26 = arith.constant 0 : i32
    %dma_start3A_27 = arith.constant 0 : i32
    %dma_start3A_28 = tpu.memref_slice %arg6[%dma_start3A_24, %dma_start3A_26, %dma_start3A_27] : memref<3x4x2048xf32, #tpu.memory_space<vmem>> -> memref<1x4x2048xf32, #tpu.memory_space<vmem>>
    %dma_start3A_29 = tpu.memref_squeeze %dma_start3A_28 : memref<1x4x2048xf32, #tpu.memory_space<vmem>> -> memref<4x2048xf32, #tpu.memory_space<vmem>>
    %dma_start3A_30 = arith.constant 0 : i32
    %dma_start3A_31 = tpu.memref_slice %arg3[%add3A_4, %dma_start3A_30] : memref<8192x2048xf32, #tpu.memory_space<hbm>> -> memref<4x2048xf32, #tpu.memory_space<hbm>>
    %dma_start3A_32 = tpu.memref_slice %arg7[%dma_start3A_25] : memref<3x!tpu.dma_semaphore, #tpu.memory_space<semaphore_mem>> -> memref<1x!tpu.dma_semaphore, #tpu.memory_space<semaphore_mem>>
    %dma_start3A_33 = tpu.memref_squeeze %dma_start3A_32 : memref<1x!tpu.dma_semaphore, #tpu.memory_space<semaphore_mem>> -> memref<!tpu.dma_semaphore, #tpu.memory_space<semaphore_mem>>
    %dma_start3A_34 = arith.constant 0 : i32
    %dma_start3A_35 = arith.constant 0 : i32
    %dma_start3A_36 = tpu.memref_slice %arg6[%dma_start3A_24, %dma_start3A_34, %dma_start3A_35] : memref<3x4x2048xf32, #tpu.memory_space<vmem>> -> memref<1x4x2048xf32, #tpu.memory_space<vmem>>
    %dma_start3A_37 = tpu.memref_squeeze %dma_start3A_36 : memref<1x4x2048xf32, #tpu.memory_space<vmem>> -> memref<4x2048xf32, #tpu.memory_space<vmem>>
    %dma_start3A_38 = arith.constant 0 : i32
    %dma_start3A_39 = tpu.memref_slice %arg3[%add3A_4, %dma_start3A_38] : memref<8192x2048xf32, #tpu.memory_space<hbm>> -> memref<4x2048xf32, #tpu.memory_space<hbm>>
    tpu.enqueue_dma source(%dma_start3A_39 : memref<4x2048xf32, #tpu.memory_space<hbm>>) target(%dma_start3A_37 : memref<4x2048xf32, #tpu.memory_space<vmem>>) target_semaphore(%dma_start3A_33 : memref<!tpu.dma_semaphore, #tpu.memory_space<semaphore_mem>>)
    %scan3A = arith.constant 0 : i32
    %scan3A_40 = arith.constant 0 : i32
    %scan3A_41 = arith.constant 32 : i32
    %scan3A_42 = arith.addi %scan3A_40, %scan3A_41 : i32
    %scan3A_43 = arith.constant 1 : i32
    scf.for %scan3A_110 = %scan3A_40 to %scan3A_42 step %scan3A_43  : i32 {
      %rem3A = arith.constant 3 : i32
      %rem3A_111 = arith.remsi %scan3A_110, %rem3A : i32
      %add3A_112 = arith.constant 1 : i32
      %add3A_113 = arith.addi %scan3A_110, %add3A_112 : i32
      %rem3A_114 = arith.constant 3 : i32
      %rem3A_115 = arith.remsi %add3A_113, %rem3A_114 : i32
      %add3A_116 = arith.constant 1 : i32
      %add3A_117 = arith.addi %scan3A_110, %add3A_116 : i32
      %lt3A = arith.constant 32 : i32
      %lt3A_118 = arith.cmpi slt, %add3A_117, %lt3A : i32
      %ge3A = arith.constant 2 : i32
      %ge3A_119 = arith.cmpi sge, %scan3A_110, %ge3A : i32
      %and3A = arith.andi %lt3A_118, %ge3A_119 : i1
      %convert_element_type3A = arith.extui %and3A : i1 to i32
      %cond3A = arith.constant 0 : i32
      %cond3A_120 = arith.cmpi ne, %convert_element_type3A, %cond3A : i32
      scf.if %cond3A_120 {
        %add3A_186 = arith.constant 1 : i32
        %add3A_187 = arith.addi %scan3A_110, %add3A_186 : i32
        %sub3A = arith.constant 3 : i32
        %sub3A_188 = arith.subi %add3A_187, %sub3A : i32
        %mul3A_189 = arith.constant 4 : i32
        %mul3A_190 = arith.muli %sub3A_188, %mul3A_189 : i32
        %add3A_191 = arith.addi %mul3A_2, %mul3A_190 : i32
        %dma_wait3A_192 = arith.constant 0 : i32
        %dma_wait3A_193 = arith.constant 0 : i32
        %dma_wait3A_194 = arith.constant 0 : i32
        %dma_wait3A_195 = tpu.memref_slice %arg5[%rem3A_115, %dma_wait3A_192, %dma_wait3A_193, %dma_wait3A_194] : memref<3x4x4x2048xf32, #tpu.memory_space<vmem>> -> memref<1x4x4x2048xf32, #tpu.memory_space<vmem>>
        %dma_wait3A_196 = tpu.memref_squeeze %dma_wait3A_195 : memref<1x4x4x2048xf32, #tpu.memory_space<vmem>> -> memref<4x4x2048xf32, #tpu.memory_space<vmem>>
        %dma_wait3A_197 = arith.constant 0 : i32
        %dma_wait3A_198 = arith.constant 0 : i32
        %dma_wait3A_199 = tpu.memref_slice %arg4[%dma_wait3A_197, %add3A_191, %dma_wait3A_198] : memref<4x4096x2048xf32, #tpu.memory_space<hbm>> -> memref<4x4x2048xf32, #tpu.memory_space<hbm>>
        %dma_wait3A_200 = tpu.memref_slice %arg8[%rem3A_115] : memref<3x!tpu.dma_semaphore, #tpu.memory_space<semaphore_mem>> -> memref<1x!tpu.dma_semaphore, #tpu.memory_space<semaphore_mem>>
        %dma_wait3A_201 = tpu.memref_squeeze %dma_wait3A_200 : memref<1x!tpu.dma_semaphore, #tpu.memory_space<semaphore_mem>> -> memref<!tpu.dma_semaphore, #tpu.memory_space<semaphore_mem>>
        %dma_wait3A_202 = arith.constant 0 : i32
        %dma_wait3A_203 = arith.constant 0 : i32
        %dma_wait3A_204 = tpu.memref_slice %arg4[%dma_wait3A_202, %add3A_191, %dma_wait3A_203] : memref<4x4096x2048xf32, #tpu.memory_space<hbm>> -> memref<4x4x2048xf32, #tpu.memory_space<hbm>>
        %dma_wait3A_205 = arith.constant 0 : i32
        %dma_wait3A_206 = arith.constant 0 : i32
        %dma_wait3A_207 = arith.constant 0 : i32
        %dma_wait3A_208 = tpu.memref_slice %arg5[%rem3A_115, %dma_wait3A_205, %dma_wait3A_206, %dma_wait3A_207] : memref<3x4x4x2048xf32, #tpu.memory_space<vmem>> -> memref<1x4x4x2048xf32, #tpu.memory_space<vmem>>
        %dma_wait3A_209 = tpu.memref_squeeze %dma_wait3A_208 : memref<1x4x4x2048xf32, #tpu.memory_space<vmem>> -> memref<4x4x2048xf32, #tpu.memory_space<vmem>>
        tpu.wait_dma2 semaphore(%dma_wait3A_201 : memref<!tpu.dma_semaphore, #tpu.memory_space<semaphore_mem>>) src(%dma_wait3A_209 : memref<4x4x2048xf32, #tpu.memory_space<vmem>>) dst(%dma_wait3A_204 : memref<4x4x2048xf32, #tpu.memory_space<hbm>>)
      } else {
      }
      %add3A_121 = arith.constant 1 : i32
      %add3A_122 = arith.addi %scan3A_110, %add3A_121 : i32
      %lt3A_123 = arith.constant 32 : i32
      %lt3A_124 = arith.cmpi slt, %add3A_122, %lt3A_123 : i32
      %convert_element_type3A_125 = arith.extui %lt3A_124 : i1 to i32
      %cond3A_126 = arith.constant 0 : i32
      %cond3A_127 = arith.cmpi ne, %convert_element_type3A_125, %cond3A_126 : i32
      scf.if %cond3A_127 {
        %add3A_186 = arith.constant 1 : i32
        %add3A_187 = arith.addi %scan3A_110, %add3A_186 : i32
        %mul3A_188 = arith.constant 4 : i32
        %mul3A_189 = arith.muli %add3A_187, %mul3A_188 : i32
        %add3A_190 = arith.addi %mul3A_2, %mul3A_189 : i32
        %dma_start3A_191 = arith.constant 0 : i32
        %dma_start3A_192 = arith.constant 0 : i32
        %dma_start3A_193 = arith.constant 0 : i32
        %dma_start3A_194 = tpu.memref_slice %arg5[%rem3A_115, %dma_start3A_191, %dma_start3A_192, %dma_start3A_193] : memref<3x4x4x2048xf32, #tpu.memory_space<vmem>> -> memref<1x4x4x2048xf32, #tpu.memory_space<vmem>>
        %dma_start3A_195 = tpu.memref_squeeze %dma_start3A_194 : memref<1x4x4x2048xf32, #tpu.memory_space<vmem>> -> memref<4x4x2048xf32, #tpu.memory_space<vmem>>
        %dma_start3A_196 = arith.constant 0 : i32
        %dma_start3A_197 = arith.constant 0 : i32
        %dma_start3A_198 = tpu.memref_slice %arg2[%dma_start3A_196, %add3A_190, %dma_start3A_197] : memref<4x4096x2048xf32, #tpu.memory_space<hbm>> -> memref<4x4x2048xf32, #tpu.memory_space<hbm>>
        %dma_start3A_199 = tpu.memref_slice %arg7[%rem3A_115] : memref<3x!tpu.dma_semaphore, #tpu.memory_space<semaphore_mem>> -> memref<1x!tpu.dma_semaphore, #tpu.memory_space<semaphore_mem>>
        %dma_start3A_200 = tpu.memref_squeeze %dma_start3A_199 : memref<1x!tpu.dma_semaphore, #tpu.memory_space<semaphore_mem>> -> memref<!tpu.dma_semaphore, #tpu.memory_space<semaphore_mem>>
        %dma_start3A_201 = arith.constant 0 : i32
        %dma_start3A_202 = arith.constant 0 : i32
        %dma_start3A_203 = arith.constant 0 : i32
        %dma_start3A_204 = tpu.memref_slice %arg5[%rem3A_115, %dma_start3A_201, %dma_start3A_202, %dma_start3A_203] : memref<3x4x4x2048xf32, #tpu.memory_space<vmem>> -> memref<1x4x4x2048xf32, #tpu.memory_space<vmem>>
        %dma_start3A_205 = tpu.memref_squeeze %dma_start3A_204 : memref<1x4x4x2048xf32, #tpu.memory_space<vmem>> -> memref<4x4x2048xf32, #tpu.memory_space<vmem>>
        %dma_start3A_206 = arith.constant 0 : i32
        %dma_start3A_207 = arith.constant 0 : i32
        %dma_start3A_208 = tpu.memref_slice %arg2[%dma_start3A_206, %add3A_190, %dma_start3A_207] : memref<4x4096x2048xf32, #tpu.memory_space<hbm>> -> memref<4x4x2048xf32, #tpu.memory_space<hbm>>
        tpu.enqueue_dma source(%dma_start3A_208 : memref<4x4x2048xf32, #tpu.memory_space<hbm>>) target(%dma_start3A_205 : memref<4x4x2048xf32, #tpu.memory_space<vmem>>) target_semaphore(%dma_start3A_200 : memref<!tpu.dma_semaphore, #tpu.memory_space<semaphore_mem>>)
        %dma_start3A_209 = arith.constant 0 : i32
        %dma_start3A_210 = arith.constant 0 : i32
        %dma_start3A_211 = tpu.memref_slice %arg6[%rem3A_115, %dma_start3A_209, %dma_start3A_210] : memref<3x4x2048xf32, #tpu.memory_space<vmem>> -> memref<1x4x2048xf32, #tpu.memory_space<vmem>>
        %dma_start3A_212 = tpu.memref_squeeze %dma_start3A_211 : memref<1x4x2048xf32, #tpu.memory_space<vmem>> -> memref<4x2048xf32, #tpu.memory_space<vmem>>
        %dma_start3A_213 = arith.constant 0 : i32
        %dma_start3A_214 = tpu.memref_slice %arg3[%add3A_190, %dma_start3A_213] : memref<8192x2048xf32, #tpu.memory_space<hbm>> -> memref<4x2048xf32, #tpu.memory_space<hbm>>
        %dma_start3A_215 = tpu.memref_slice %arg7[%rem3A_115] : memref<3x!tpu.dma_semaphore, #tpu.memory_space<semaphore_mem>> -> memref<1x!tpu.dma_semaphore, #tpu.memory_space<semaphore_mem>>
        %dma_start3A_216 = tpu.memref_squeeze %dma_start3A_215 : memref<1x!tpu.dma_semaphore, #tpu.memory_space<semaphore_mem>> -> memref<!tpu.dma_semaphore, #tpu.memory_space<semaphore_mem>>
        %dma_start3A_217 = arith.constant 0 : i32
        %dma_start3A_218 = arith.constant 0 : i32
        %dma_start3A_219 = tpu.memref_slice %arg6[%rem3A_115, %dma_start3A_217, %dma_start3A_218] : memref<3x4x2048xf32, #tpu.memory_space<vmem>> -> memref<1x4x2048xf32, #tpu.memory_space<vmem>>
        %dma_start3A_220 = tpu.memref_squeeze %dma_start3A_219 : memref<1x4x2048xf32, #tpu.memory_space<vmem>> -> memref<4x2048xf32, #tpu.memory_space<vmem>>
        %dma_start3A_221 = arith.constant 0 : i32
        %dma_start3A_222 = tpu.memref_slice %arg3[%add3A_190, %dma_start3A_221] : memref<8192x2048xf32, #tpu.memory_space<hbm>> -> memref<4x2048xf32, #tpu.memory_space<hbm>>
        tpu.enqueue_dma source(%dma_start3A_222 : memref<4x2048xf32, #tpu.memory_space<hbm>>) target(%dma_start3A_220 : memref<4x2048xf32, #tpu.memory_space<vmem>>) target_semaphore(%dma_start3A_216 : memref<!tpu.dma_semaphore, #tpu.memory_space<semaphore_mem>>)
      } else {
      }
      %mul3A_128 = arith.constant 4 : i32
      %mul3A_129 = arith.muli %scan3A_110, %mul3A_128 : i32
      %add3A_130 = arith.addi %mul3A_2, %mul3A_129 : i32
      %dma_wait3A_131 = arith.constant 0 : i32
      %dma_wait3A_132 = arith.constant 0 : i32
      %dma_wait3A_133 = arith.constant 0 : i32
      %dma_wait3A_134 = tpu.memref_slice %arg5[%rem3A_111, %dma_wait3A_131, %dma_wait3A_132, %dma_wait3A_133] : memref<3x4x4x2048xf32, #tpu.memory_space<vmem>> -> memref<1x4x4x2048xf32, #tpu.memory_space<vmem>>
      %dma_wait3A_135 = tpu.memref_squeeze %dma_wait3A_134 : memref<1x4x4x2048xf32, #tpu.memory_space<vmem>> -> memref<4x4x2048xf32, #tpu.memory_space<vmem>>
      %dma_wait3A_136 = arith.constant 0 : i32
      %dma_wait3A_137 = arith.constant 0 : i32
      %dma_wait3A_138 = tpu.memref_slice %arg2[%dma_wait3A_136, %add3A_130, %dma_wait3A_137] : memref<4x4096x2048xf32, #tpu.memory_space<hbm>> -> memref<4x4x2048xf32, #tpu.memory_space<hbm>>
      %dma_wait3A_139 = tpu.memref_slice %arg7[%rem3A_111] : memref<3x!tpu.dma_semaphore, #tpu.memory_space<semaphore_mem>> -> memref<1x!tpu.dma_semaphore, #tpu.memory_space<semaphore_mem>>
      %dma_wait3A_140 = tpu.memref_squeeze %dma_wait3A_139 : memref<1x!tpu.dma_semaphore, #tpu.memory_space<semaphore_mem>> -> memref<!tpu.dma_semaphore, #tpu.memory_space<semaphore_mem>>
      %dma_wait3A_141 = arith.constant 0 : i32
      %dma_wait3A_142 = arith.constant 0 : i32
      %dma_wait3A_143 = arith.constant 0 : i32
      %dma_wait3A_144 = tpu.memref_slice %arg5[%rem3A_111, %dma_wait3A_141, %dma_wait3A_142, %dma_wait3A_143] : memref<3x4x4x2048xf32, #tpu.memory_space<vmem>> -> memref<1x4x4x2048xf32, #tpu.memory_space<vmem>>
      %dma_wait3A_145 = tpu.memref_squeeze %dma_wait3A_144 : memref<1x4x4x2048xf32, #tpu.memory_space<vmem>> -> memref<4x4x2048xf32, #tpu.memory_space<vmem>>
      %dma_wait3A_146 = arith.constant 0 : i32
      %dma_wait3A_147 = arith.constant 0 : i32
      %dma_wait3A_148 = tpu.memref_slice %arg2[%dma_wait3A_146, %add3A_130, %dma_wait3A_147] : memref<4x4096x2048xf32, #tpu.memory_space<hbm>> -> memref<4x4x2048xf32, #tpu.memory_space<hbm>>
      tpu.wait_dma2 semaphore(%dma_wait3A_140 : memref<!tpu.dma_semaphore, #tpu.memory_space<semaphore_mem>>) src(%dma_wait3A_148 : memref<4x4x2048xf32, #tpu.memory_space<hbm>>) dst(%dma_wait3A_145 : memref<4x4x2048xf32, #tpu.memory_space<vmem>>)
      %dma_wait3A_149 = arith.constant 0 : i32
      %dma_wait3A_150 = arith.constant 0 : i32
      %dma_wait3A_151 = tpu.memref_slice %arg6[%rem3A_111, %dma_wait3A_149, %dma_wait3A_150] : memref<3x4x2048xf32, #tpu.memory_space<vmem>> -> memref<1x4x2048xf32, #tpu.memory_space<vmem>>
      %dma_wait3A_152 = tpu.memref_squeeze %dma_wait3A_151 : memref<1x4x2048xf32, #tpu.memory_space<vmem>> -> memref<4x2048xf32, #tpu.memory_space<vmem>>
      %dma_wait3A_153 = arith.constant 0 : i32
      %dma_wait3A_154 = tpu.memref_slice %arg3[%add3A_130, %dma_wait3A_153] : memref<8192x2048xf32, #tpu.memory_space<hbm>> -> memref<4x2048xf32, #tpu.memory_space<hbm>>
      %dma_wait3A_155 = tpu.memref_slice %arg7[%rem3A_111] : memref<3x!tpu.dma_semaphore, #tpu.memory_space<semaphore_mem>> -> memref<1x!tpu.dma_semaphore, #tpu.memory_space<semaphore_mem>>
      %dma_wait3A_156 = tpu.memref_squeeze %dma_wait3A_155 : memref<1x!tpu.dma_semaphore, #tpu.memory_space<semaphore_mem>> -> memref<!tpu.dma_semaphore, #tpu.memory_space<semaphore_mem>>
      %dma_wait3A_157 = arith.constant 0 : i32
      %dma_wait3A_158 = arith.constant 0 : i32
      %dma_wait3A_159 = tpu.memref_slice %arg6[%rem3A_111, %dma_wait3A_157, %dma_wait3A_158] : memref<3x4x2048xf32, #tpu.memory_space<vmem>> -> memref<1x4x2048xf32, #tpu.memory_space<vmem>>
      %dma_wait3A_160 = tpu.memref_squeeze %dma_wait3A_159 : memref<1x4x2048xf32, #tpu.memory_space<vmem>> -> memref<4x2048xf32, #tpu.memory_space<vmem>>
      %dma_wait3A_161 = arith.constant 0 : i32
      %dma_wait3A_162 = tpu.memref_slice %arg3[%add3A_130, %dma_wait3A_161] : memref<8192x2048xf32, #tpu.memory_space<hbm>> -> memref<4x2048xf32, #tpu.memory_space<hbm>>
      tpu.wait_dma2 semaphore(%dma_wait3A_156 : memref<!tpu.dma_semaphore, #tpu.memory_space<semaphore_mem>>) src(%dma_wait3A_162 : memref<4x2048xf32, #tpu.memory_space<hbm>>) dst(%dma_wait3A_160 : memref<4x2048xf32, #tpu.memory_space<vmem>>)
      %parallel_loop3A = arith.constant 0 : i32
      %parallel_loop3A_163 = arith.constant 128 : i32
      %parallel_loop3A_164 = arith.constant 1 : i32
      scf.for %parallel_loop3A_186 = %parallel_loop3A to %parallel_loop3A_163 step %parallel_loop3A_164  : i32 {
        %parallel_loop3A_187 = arith.constant 16 : i32
        %parallel_loop3A_188 = arith.muli %parallel_loop3A_186, %parallel_loop3A_187 : i32
        %parallel_loop3A_189 = arith.constant 0 : i32
        %parallel_loop3A_190 = arith.index_cast %rem3A_111 : i32 to index
        %parallel_loop3A_191 = arith.index_cast %parallel_loop3A_189 : i32 to index
        %parallel_loop3A_192 = arith.index_cast %parallel_loop3A_188 : i32 to index
        %parallel_loop3A_193 = tpu.vector_load %arg6[%parallel_loop3A_190, %parallel_loop3A_191, %parallel_loop3A_192] {strides = array<i32>} : memref<3x4x2048xf32, #tpu.memory_space<vmem>>, vector<1x1x16xf32>,
        %parallel_loop3A_194 = vector.shape_cast %parallel_loop3A_193 : vector<1x1x16xf32> to vector<16xf32>
        %parallel_loop3A_195 = arith.constant 0 : i32
        %parallel_loop3A_196 = arith.constant 0 : i32
        %parallel_loop3A_197 = arith.index_cast %rem3A_111 : i32 to index
        %parallel_loop3A_198 = arith.index_cast %parallel_loop3A_195 : i32 to index
        %parallel_loop3A_199 = arith.index_cast %parallel_loop3A_196 : i32 to index
        %parallel_loop3A_200 = arith.index_cast %parallel_loop3A_188 : i32 to index
        %parallel_loop3A_201 = tpu.vector_load %arg5[%parallel_loop3A_197, %parallel_loop3A_198, %parallel_loop3A_199, %parallel_loop3A_200] {strides = array<i32>} : memref<3x4x4x2048xf32, #tpu.memory_space<vmem>>, vector<1x1x1x16xf32>,
        %parallel_loop3A_202 = vector.shape_cast %parallel_loop3A_201 : vector<1x1x1x16xf32> to vector<16xf32>
        %parallel_loop3A_203 = arith.addf %parallel_loop3A_202, %parallel_loop3A_194 : vector<16xf32>
        %parallel_loop3A_204 = arith.constant 0 : i32
        %parallel_loop3A_205 = arith.constant 0 : i32
        %parallel_loop3A_206 = arith.index_cast %rem3A_111 : i32 to index
        %parallel_loop3A_207 = arith.index_cast %parallel_loop3A_204 : i32 to index
        %parallel_loop3A_208 = arith.index_cast %parallel_loop3A_205 : i32 to index
        %parallel_loop3A_209 = arith.index_cast %parallel_loop3A_188 : i32 to index
        %parallel_loop3A_210 = tpu.vector_load %arg5[%parallel_loop3A_206, %parallel_loop3A_207, %parallel_loop3A_208, %parallel_loop3A_209] {strides = array<i32>} : memref<3x4x4x2048xf32, #tpu.memory_space<vmem>>, vector<1x1x1x16xf32>,
        %parallel_loop3A_211 = vector.shape_cast %parallel_loop3A_210 : vector<1x1x1x16xf32> to vector<16xf32>
        %parallel_loop3A_212 = vector.shape_cast %parallel_loop3A_203 : vector<16xf32> to vector<1x1x1x16xf32>
        tpu.vector_store %arg5[%parallel_loop3A_206, %parallel_loop3A_207, %parallel_loop3A_208, %parallel_loop3A_209], %parallel_loop3A_212 {strides = array<i32>} : memref<3x4x4x2048xf32, #tpu.memory_space<vmem>>, vector<1x1x1x16xf32>,
        %parallel_loop3A_213 = arith.constant 1 : i32
        %parallel_loop3A_214 = arith.constant 0 : i32
        %parallel_loop3A_215 = arith.index_cast %rem3A_111 : i32 to index
        %parallel_loop3A_216 = arith.index_cast %parallel_loop3A_213 : i32 to index
        %parallel_loop3A_217 = arith.index_cast %parallel_loop3A_214 : i32 to index
        %parallel_loop3A_218 = arith.index_cast %parallel_loop3A_188 : i32 to index
        %parallel_loop3A_219 = tpu.vector_load %arg5[%parallel_loop3A_215, %parallel_loop3A_216, %parallel_loop3A_217, %parallel_loop3A_218] {strides = array<i32>} : memref<3x4x4x2048xf32, #tpu.memory_space<vmem>>, vector<1x1x1x16xf32>,
        %parallel_loop3A_220 = vector.shape_cast %parallel_loop3A_219 : vector<1x1x1x16xf32> to vector<16xf32>
        %parallel_loop3A_221 = arith.addf %parallel_loop3A_220, %parallel_loop3A_194 : vector<16xf32>
        %parallel_loop3A_222 = arith.constant 1 : i32
        %parallel_loop3A_223 = arith.constant 0 : i32
        %parallel_loop3A_224 = arith.index_cast %rem3A_111 : i32 to index
        %parallel_loop3A_225 = arith.index_cast %parallel_loop3A_222 : i32 to index
        %parallel_loop3A_226 = arith.index_cast %parallel_loop3A_223 : i32 to index
        %parallel_loop3A_227 = arith.index_cast %parallel_loop3A_188 : i32 to index
        %parallel_loop3A_228 = tpu.vector_load %arg5[%parallel_loop3A_224, %parallel_loop3A_225, %parallel_loop3A_226, %parallel_loop3A_227] {strides = array<i32>} : memref<3x4x4x2048xf32, #tpu.memory_space<vmem>>, vector<1x1x1x16xf32>,
        %parallel_loop3A_229 = vector.shape_cast %parallel_loop3A_228 : vector<1x1x1x16xf32> to vector<16xf32>
        %parallel_loop3A_230 = vector.shape_cast %parallel_loop3A_221 : vector<16xf32> to vector<1x1x1x16xf32>
        tpu.vector_store %arg5[%parallel_loop3A_224, %parallel_loop3A_225, %parallel_loop3A_226, %parallel_loop3A_227], %parallel_loop3A_230 {strides = array<i32>} : memref<3x4x4x2048xf32, #tpu.memory_space<vmem>>, vector<1x1x1x16xf32>,
        %parallel_loop3A_231 = arith.constant 2 : i32
        %parallel_loop3A_232 = arith.constant 0 : i32
        %parallel_loop3A_233 = arith.index_cast %rem3A_111 : i32 to index
        %parallel_loop3A_234 = arith.index_cast %parallel_loop3A_231 : i32 to index
        %parallel_loop3A_235 = arith.index_cast %parallel_loop3A_232 : i32 to index
        %parallel_loop3A_236 = arith.index_cast %parallel_loop3A_188 : i32 to index
        %parallel_loop3A_237 = tpu.vector_load %arg5[%parallel_loop3A_233, %parallel_loop3A_234, %parallel_loop3A_235, %parallel_loop3A_236] {strides = array<i32>} : memref<3x4x4x2048xf32, #tpu.memory_space<vmem>>, vector<1x1x1x16xf32>,
        %parallel_loop3A_238 = vector.shape_cast %parallel_loop3A_237 : vector<1x1x1x16xf32> to vector<16xf32>
        %parallel_loop3A_239 = arith.addf %parallel_loop3A_238, %parallel_loop3A_194 : vector<16xf32>
        %parallel_loop3A_240 = arith.constant 2 : i32
        %parallel_loop3A_241 = arith.constant 0 : i32
        %parallel_loop3A_242 = arith.index_cast %rem3A_111 : i32 to index
        %parallel_loop3A_243 = arith.index_cast %parallel_loop3A_240 : i32 to index
        %parallel_loop3A_244 = arith.index_cast %parallel_loop3A_241 : i32 to index
        %parallel_loop3A_245 = arith.index_cast %parallel_loop3A_188 : i32 to index
        %parallel_loop3A_246 = tpu.vector_load %arg5[%parallel_loop3A_242, %parallel_loop3A_243, %parallel_loop3A_244, %parallel_loop3A_245] {strides = array<i32>} : memref<3x4x4x2048xf32, #tpu.memory_space<vmem>>, vector<1x1x1x16xf32>,
        %parallel_loop3A_247 = vector.shape_cast %parallel_loop3A_246 : vector<1x1x1x16xf32> to vector<16xf32>
        %parallel_loop3A_248 = vector.shape_cast %parallel_loop3A_239 : vector<16xf32> to vector<1x1x1x16xf32>
        tpu.vector_store %arg5[%parallel_loop3A_242, %parallel_loop3A_243, %parallel_loop3A_244, %parallel_loop3A_245], %parallel_loop3A_248 {strides = array<i32>} : memref<3x4x4x2048xf32, #tpu.memory_space<vmem>>, vector<1x1x1x16xf32>,
        %parallel_loop3A_249 = arith.constant 3 : i32
        %parallel_loop3A_250 = arith.constant 0 : i32
        %parallel_loop3A_251 = arith.index_cast %rem3A_111 : i32 to index
        %parallel_loop3A_252 = arith.index_cast %parallel_loop3A_249 : i32 to index
        %parallel_loop3A_253 = arith.index_cast %parallel_loop3A_250 : i32 to index
        %parallel_loop3A_254 = arith.index_cast %parallel_loop3A_188 : i32 to index
        %parallel_loop3A_255 = tpu.vector_load %arg5[%parallel_loop3A_251, %parallel_loop3A_252, %parallel_loop3A_253, %parallel_loop3A_254] {strides = array<i32>} : memref<3x4x4x2048xf32, #tpu.memory_space<vmem>>, vector<1x1x1x16xf32>,
        %parallel_loop3A_256 = vector.shape_cast %parallel_loop3A_255 : vector<1x1x1x16xf32> to vector<16xf32>
        %parallel_loop3A_257 = arith.addf %parallel_loop3A_256, %parallel_loop3A_194 : vector<16xf32>
        %parallel_loop3A_258 = arith.constant 3 : i32
        %parallel_loop3A_259 = arith.constant 0 : i32
        %parallel_loop3A_260 = arith.index_cast %rem3A_111 : i32 to index
        %parallel_loop3A_261 = arith.index_cast %parallel_loop3A_258 : i32 to index
        %parallel_loop3A_262 = arith.index_cast %parallel_loop3A_259 : i32 to index
        %parallel_loop3A_263 = arith.index_cast %parallel_loop3A_188 : i32 to index
        %parallel_loop3A_264 = tpu.vector_load %arg5[%parallel_loop3A_260, %parallel_loop3A_261, %parallel_loop3A_262, %parallel_loop3A_263] {strides = array<i32>} : memref<3x4x4x2048xf32, #tpu.memory_space<vmem>>, vector<1x1x1x16xf32>,
        %parallel_loop3A_265 = vector.shape_cast %parallel_loop3A_264 : vector<1x1x1x16xf32> to vector<16xf32>
        %parallel_loop3A_266 = vector.shape_cast %parallel_loop3A_257 : vector<16xf32> to vector<1x1x1x16xf32>
        tpu.vector_store %arg5[%parallel_loop3A_260, %parallel_loop3A_261, %parallel_loop3A_262, %parallel_loop3A_263], %parallel_loop3A_266 {strides = array<i32>} : memref<3x4x4x2048xf32, #tpu.memory_space<vmem>>, vector<1x1x1x16xf32>,
        %parallel_loop3A_267 = arith.constant 1 : i32
        %parallel_loop3A_268 = arith.index_cast %rem3A_111 : i32 to index
        %parallel_loop3A_269 = arith.index_cast %parallel_loop3A_267 : i32 to index
        %parallel_loop3A_270 = arith.index_cast %parallel_loop3A_188 : i32 to index
        %parallel_loop3A_271 = tpu.vector_load %arg6[%parallel_loop3A_268, %parallel_loop3A_269, %parallel_loop3A_270] {strides = array<i32>} : memref<3x4x2048xf32, #tpu.memory_space<vmem>>, vector<1x1x16xf32>,
        %parallel_loop3A_272 = vector.shape_cast %parallel_loop3A_271 : vector<1x1x16xf32> to vector<16xf32>
        %parallel_loop3A_273 = arith.constant 0 : i32
        %parallel_loop3A_274 = arith.constant 1 : i32
        %parallel_loop3A_275 = arith.index_cast %rem3A_111 : i32 to index
        %parallel_loop3A_276 = arith.index_cast %parallel_loop3A_273 : i32 to index
        %parallel_loop3A_277 = arith.index_cast %parallel_loop3A_274 : i32 to index
        %parallel_loop3A_278 = arith.index_cast %parallel_loop3A_188 : i32 to index
        %parallel_loop3A_279 = tpu.vector_load %arg5[%parallel_loop3A_275, %parallel_loop3A_276, %parallel_loop3A_277, %parallel_loop3A_278] {strides = array<i32>} : memref<3x4x4x2048xf32, #tpu.memory_space<vmem>>, vector<1x1x1x16xf32>,
        %parallel_loop3A_280 = vector.shape_cast %parallel_loop3A_279 : vector<1x1x1x16xf32> to vector<16xf32>
        %parallel_loop3A_281 = arith.addf %parallel_loop3A_280, %parallel_loop3A_272 : vector<16xf32>
        %parallel_loop3A_282 = arith.constant 0 : i32
        %parallel_loop3A_283 = arith.constant 1 : i32
        %parallel_loop3A_284 = arith.index_cast %rem3A_111 : i32 to index
        %parallel_loop3A_285 = arith.index_cast %parallel_loop3A_282 : i32 to index
        %parallel_loop3A_286 = arith.index_cast %parallel_loop3A_283 : i32 to index
        %parallel_loop3A_287 = arith.index_cast %parallel_loop3A_188 : i32 to index
        %parallel_loop3A_288 = tpu.vector_load %arg5[%parallel_loop3A_284, %parallel_loop3A_285, %parallel_loop3A_286, %parallel_loop3A_287] {strides = array<i32>} : memref<3x4x4x2048xf32, #tpu.memory_space<vmem>>, vector<1x1x1x16xf32>,
        %parallel_loop3A_289 = vector.shape_cast %parallel_loop3A_288 : vector<1x1x1x16xf32> to vector<16xf32>
        %parallel_loop3A_290 = vector.shape_cast %parallel_loop3A_281 : vector<16xf32> to vector<1x1x1x16xf32>
        tpu.vector_store %arg5[%parallel_loop3A_284, %parallel_loop3A_285, %parallel_loop3A_286, %parallel_loop3A_287], %parallel_loop3A_290 {strides = array<i32>} : memref<3x4x4x2048xf32, #tpu.memory_space<vmem>>, vector<1x1x1x16xf32>,
        %parallel_loop3A_291 = arith.constant 1 : i32
        %parallel_loop3A_292 = arith.constant 1 : i32
        %parallel_loop3A_293 = arith.index_cast %rem3A_111 : i32 to index
        %parallel_loop3A_294 = arith.index_cast %parallel_loop3A_291 : i32 to index
        %parallel_loop3A_295 = arith.index_cast %parallel_loop3A_292 : i32 to index
        %parallel_loop3A_296 = arith.index_cast %parallel_loop3A_188 : i32 to index
        %parallel_loop3A_297 = tpu.vector_load %arg5[%parallel_loop3A_293, %parallel_loop3A_294, %parallel_loop3A_295, %parallel_loop3A_296] {strides = array<i32>} : memref<3x4x4x2048xf32, #tpu.memory_space<vmem>>, vector<1x1x1x16xf32>,
        %parallel_loop3A_298 = vector.shape_cast %parallel_loop3A_297 : vector<1x1x1x16xf32> to vector<16xf32>
        %parallel_loop3A_299 = arith.addf %parallel_loop3A_298, %parallel_loop3A_272 : vector<16xf32>
        %parallel_loop3A_300 = arith.constant 1 : i32
        %parallel_loop3A_301 = arith.constant 1 : i32
        %parallel_loop3A_302 = arith.index_cast %rem3A_111 : i32 to index
        %parallel_loop3A_303 = arith.index_cast %parallel_loop3A_300 : i32 to index
        %parallel_loop3A_304 = arith.index_cast %parallel_loop3A_301 : i32 to index
        %parallel_loop3A_305 = arith.index_cast %parallel_loop3A_188 : i32 to index
        %parallel_loop3A_306 = tpu.vector_load %arg5[%parallel_loop3A_302, %parallel_loop3A_303, %parallel_loop3A_304, %parallel_loop3A_305] {strides = array<i32>} : memref<3x4x4x2048xf32, #tpu.memory_space<vmem>>, vector<1x1x1x16xf32>,
        %parallel_loop3A_307 = vector.shape_cast %parallel_loop3A_306 : vector<1x1x1x16xf32> to vector<16xf32>
        %parallel_loop3A_308 = vector.shape_cast %parallel_loop3A_299 : vector<16xf32> to vector<1x1x1x16xf32>
        tpu.vector_store %arg5[%parallel_loop3A_302, %parallel_loop3A_303, %parallel_loop3A_304, %parallel_loop3A_305], %parallel_loop3A_308 {strides = array<i32>} : memref<3x4x4x2048xf32, #tpu.memory_space<vmem>>, vector<1x1x1x16xf32>,
        %parallel_loop3A_309 = arith.constant 2 : i32
        %parallel_loop3A_310 = arith.constant 1 : i32
        %parallel_loop3A_311 = arith.index_cast %rem3A_111 : i32 to index
        %parallel_loop3A_312 = arith.index_cast %parallel_loop3A_309 : i32 to index
        %parallel_loop3A_313 = arith.index_cast %parallel_loop3A_310 : i32 to index
        %parallel_loop3A_314 = arith.index_cast %parallel_loop3A_188 : i32 to index
        %parallel_loop3A_315 = tpu.vector_load %arg5[%parallel_loop3A_311, %parallel_loop3A_312, %parallel_loop3A_313, %parallel_loop3A_314] {strides = array<i32>} : memref<3x4x4x2048xf32, #tpu.memory_space<vmem>>, vector<1x1x1x16xf32>,
        %parallel_loop3A_316 = vector.shape_cast %parallel_loop3A_315 : vector<1x1x1x16xf32> to vector<16xf32>
        %parallel_loop3A_317 = arith.addf %parallel_loop3A_316, %parallel_loop3A_272 : vector<16xf32>
        %parallel_loop3A_318 = arith.constant 2 : i32
        %parallel_loop3A_319 = arith.constant 1 : i32
        %parallel_loop3A_320 = arith.index_cast %rem3A_111 : i32 to index
        %parallel_loop3A_321 = arith.index_cast %parallel_loop3A_318 : i32 to index
        %parallel_loop3A_322 = arith.index_cast %parallel_loop3A_319 : i32 to index
        %parallel_loop3A_323 = arith.index_cast %parallel_loop3A_188 : i32 to index
        %parallel_loop3A_324 = tpu.vector_load %arg5[%parallel_loop3A_320, %parallel_loop3A_321, %parallel_loop3A_322, %parallel_loop3A_323] {strides = array<i32>} : memref<3x4x4x2048xf32, #tpu.memory_space<vmem>>, vector<1x1x1x16xf32>,
        %parallel_loop3A_325 = vector.shape_cast %parallel_loop3A_324 : vector<1x1x1x16xf32> to vector<16xf32>
        %parallel_loop3A_326 = vector.shape_cast %parallel_loop3A_317 : vector<16xf32> to vector<1x1x1x16xf32>
        tpu.vector_store %arg5[%parallel_loop3A_320, %parallel_loop3A_321, %parallel_loop3A_322, %parallel_loop3A_323], %parallel_loop3A_326 {strides = array<i32>} : memref<3x4x4x2048xf32, #tpu.memory_space<vmem>>, vector<1x1x1x16xf32>,
        %parallel_loop3A_327 = arith.constant 3 : i32
        %parallel_loop3A_328 = arith.constant 1 : i32
        %parallel_loop3A_329 = arith.index_cast %rem3A_111 : i32 to index
        %parallel_loop3A_330 = arith.index_cast %parallel_loop3A_327 : i32 to index
        %parallel_loop3A_331 = arith.index_cast %parallel_loop3A_328 : i32 to index
        %parallel_loop3A_332 = arith.index_cast %parallel_loop3A_188 : i32 to index
        %parallel_loop3A_333 = tpu.vector_load %arg5[%parallel_loop3A_329, %parallel_loop3A_330, %parallel_loop3A_331, %parallel_loop3A_332] {strides = array<i32>} : memref<3x4x4x2048xf32, #tpu.memory_space<vmem>>, vector<1x1x1x16xf32>,
        %parallel_loop3A_334 = vector.shape_cast %parallel_loop3A_333 : vector<1x1x1x16xf32> to vector<16xf32>
        %parallel_loop3A_335 = arith.addf %parallel_loop3A_334, %parallel_loop3A_272 : vector<16xf32>
        %parallel_loop3A_336 = arith.constant 3 : i32
        %parallel_loop3A_337 = arith.constant 1 : i32
        %parallel_loop3A_338 = arith.index_cast %rem3A_111 : i32 to index
        %parallel_loop3A_339 = arith.index_cast %parallel_loop3A_336 : i32 to index
        %parallel_loop3A_340 = arith.index_cast %parallel_loop3A_337 : i32 to index
        %parallel_loop3A_341 = arith.index_cast %parallel_loop3A_188 : i32 to index
        %parallel_loop3A_342 = tpu.vector_load %arg5[%parallel_loop3A_338, %parallel_loop3A_339, %parallel_loop3A_340, %parallel_loop3A_341] {strides = array<i32>} : memref<3x4x4x2048xf32, #tpu.memory_space<vmem>>, vector<1x1x1x16xf32>,
        %parallel_loop3A_343 = vector.shape_cast %parallel_loop3A_342 : vector<1x1x1x16xf32> to vector<16xf32>
        %parallel_loop3A_344 = vector.shape_cast %parallel_loop3A_335 : vector<16xf32> to vector<1x1x1x16xf32>
        tpu.vector_store %arg5[%parallel_loop3A_338, %parallel_loop3A_339, %parallel_loop3A_340, %parallel_loop3A_341], %parallel_loop3A_344 {strides = array<i32>} : memref<3x4x4x2048xf32, #tpu.memory_space<vmem>>, vector<1x1x1x16xf32>,
        %parallel_loop3A_345 = arith.constant 2 : i32
        %parallel_loop3A_346 = arith.index_cast %rem3A_111 : i32 to index
        %parallel_loop3A_347 = arith.index_cast %parallel_loop3A_345 : i32 to index
        %parallel_loop3A_348 = arith.index_cast %parallel_loop3A_188 : i32 to index
        %parallel_loop3A_349 = tpu.vector_load %arg6[%parallel_loop3A_346, %parallel_loop3A_347, %parallel_loop3A_348] {strides = array<i32>} : memref<3x4x2048xf32, #tpu.memory_space<vmem>>, vector<1x1x16xf32>,
        %parallel_loop3A_350 = vector.shape_cast %parallel_loop3A_349 : vector<1x1x16xf32> to vector<16xf32>
        %parallel_loop3A_351 = arith.constant 0 : i32
        %parallel_loop3A_352 = arith.constant 2 : i32
        %parallel_loop3A_353 = arith.index_cast %rem3A_111 : i32 to index
        %parallel_loop3A_354 = arith.index_cast %parallel_loop3A_351 : i32 to index
        %parallel_loop3A_355 = arith.index_cast %parallel_loop3A_352 : i32 to index
        %parallel_loop3A_356 = arith.index_cast %parallel_loop3A_188 : i32 to index
        %parallel_loop3A_357 = tpu.vector_load %arg5[%parallel_loop3A_353, %parallel_loop3A_354, %parallel_loop3A_355, %parallel_loop3A_356] {strides = array<i32>} : memref<3x4x4x2048xf32, #tpu.memory_space<vmem>>, vector<1x1x1x16xf32>,
        %parallel_loop3A_358 = vector.shape_cast %parallel_loop3A_357 : vector<1x1x1x16xf32> to vector<16xf32>
        %parallel_loop3A_359 = arith.addf %parallel_loop3A_358, %parallel_loop3A_350 : vector<16xf32>
        %parallel_loop3A_360 = arith.constant 0 : i32
        %parallel_loop3A_361 = arith.constant 2 : i32
        %parallel_loop3A_362 = arith.index_cast %rem3A_111 : i32 to index
        %parallel_loop3A_363 = arith.index_cast %parallel_loop3A_360 : i32 to index
        %parallel_loop3A_364 = arith.index_cast %parallel_loop3A_361 : i32 to index
        %parallel_loop3A_365 = arith.index_cast %parallel_loop3A_188 : i32 to index
        %parallel_loop3A_366 = tpu.vector_load %arg5[%parallel_loop3A_362, %parallel_loop3A_363, %parallel_loop3A_364, %parallel_loop3A_365] {strides = array<i32>} : memref<3x4x4x2048xf32, #tpu.memory_space<vmem>>, vector<1x1x1x16xf32>,
        %parallel_loop3A_367 = vector.shape_cast %parallel_loop3A_366 : vector<1x1x1x16xf32> to vector<16xf32>
        %parallel_loop3A_368 = vector.shape_cast %parallel_loop3A_359 : vector<16xf32> to vector<1x1x1x16xf32>
        tpu.vector_store %arg5[%parallel_loop3A_362, %parallel_loop3A_363, %parallel_loop3A_364, %parallel_loop3A_365], %parallel_loop3A_368 {strides = array<i32>} : memref<3x4x4x2048xf32, #tpu.memory_space<vmem>>, vector<1x1x1x16xf32>,
        %parallel_loop3A_369 = arith.constant 1 : i32
        %parallel_loop3A_370 = arith.constant 2 : i32
        %parallel_loop3A_371 = arith.index_cast %rem3A_111 : i32 to index
        %parallel_loop3A_372 = arith.index_cast %parallel_loop3A_369 : i32 to index
        %parallel_loop3A_373 = arith.index_cast %parallel_loop3A_370 : i32 to index
        %parallel_loop3A_374 = arith.index_cast %parallel_loop3A_188 : i32 to index
        %parallel_loop3A_375 = tpu.vector_load %arg5[%parallel_loop3A_371, %parallel_loop3A_372, %parallel_loop3A_373, %parallel_loop3A_374] {strides = array<i32>} : memref<3x4x4x2048xf32, #tpu.memory_space<vmem>>, vector<1x1x1x16xf32>,
        %parallel_loop3A_376 = vector.shape_cast %parallel_loop3A_375 : vector<1x1x1x16xf32> to vector<16xf32>
        %parallel_loop3A_377 = arith.addf %parallel_loop3A_376, %parallel_loop3A_350 : vector<16xf32>
        %parallel_loop3A_378 = arith.constant 1 : i32
        %parallel_loop3A_379 = arith.constant 2 : i32
        %parallel_loop3A_380 = arith.index_cast %rem3A_111 : i32 to index
        %parallel_loop3A_381 = arith.index_cast %parallel_loop3A_378 : i32 to index
        %parallel_loop3A_382 = arith.index_cast %parallel_loop3A_379 : i32 to index
        %parallel_loop3A_383 = arith.index_cast %parallel_loop3A_188 : i32 to index
        %parallel_loop3A_384 = tpu.vector_load %arg5[%parallel_loop3A_380, %parallel_loop3A_381, %parallel_loop3A_382, %parallel_loop3A_383] {strides = array<i32>} : memref<3x4x4x2048xf32, #tpu.memory_space<vmem>>, vector<1x1x1x16xf32>,
        %parallel_loop3A_385 = vector.shape_cast %parallel_loop3A_384 : vector<1x1x1x16xf32> to vector<16xf32>
        %parallel_loop3A_386 = vector.shape_cast %parallel_loop3A_377 : vector<16xf32> to vector<1x1x1x16xf32>
        tpu.vector_store %arg5[%parallel_loop3A_380, %parallel_loop3A_381, %parallel_loop3A_382, %parallel_loop3A_383], %parallel_loop3A_386 {strides = array<i32>} : memref<3x4x4x2048xf32, #tpu.memory_space<vmem>>, vector<1x1x1x16xf32>,
        %parallel_loop3A_387 = arith.constant 2 : i32
        %parallel_loop3A_388 = arith.constant 2 : i32
        %parallel_loop3A_389 = arith.index_cast %rem3A_111 : i32 to index
        %parallel_loop3A_390 = arith.index_cast %parallel_loop3A_387 : i32 to index
        %parallel_loop3A_391 = arith.index_cast %parallel_loop3A_388 : i32 to index
        %parallel_loop3A_392 = arith.index_cast %parallel_loop3A_188 : i32 to index
        %parallel_loop3A_393 = tpu.vector_load %arg5[%parallel_loop3A_389, %parallel_loop3A_390, %parallel_loop3A_391, %parallel_loop3A_392] {strides = array<i32>} : memref<3x4x4x2048xf32, #tpu.memory_space<vmem>>, vector<1x1x1x16xf32>,
        %parallel_loop3A_394 = vector.shape_cast %parallel_loop3A_393 : vector<1x1x1x16xf32> to vector<16xf32>
        %parallel_loop3A_395 = arith.addf %parallel_loop3A_394, %parallel_loop3A_350 : vector<16xf32>
        %parallel_loop3A_396 = arith.constant 2 : i32
        %parallel_loop3A_397 = arith.constant 2 : i32
        %parallel_loop3A_398 = arith.index_cast %rem3A_111 : i32 to index
        %parallel_loop3A_399 = arith.index_cast %parallel_loop3A_396 : i32 to index
        %parallel_loop3A_400 = arith.index_cast %parallel_loop3A_397 : i32 to index
        %parallel_loop3A_401 = arith.index_cast %parallel_loop3A_188 : i32 to index
        %parallel_loop3A_402 = tpu.vector_load %arg5[%parallel_loop3A_398, %parallel_loop3A_399, %parallel_loop3A_400, %parallel_loop3A_401] {strides = array<i32>} : memref<3x4x4x2048xf32, #tpu.memory_space<vmem>>, vector<1x1x1x16xf32>,
        %parallel_loop3A_403 = vector.shape_cast %parallel_loop3A_402 : vector<1x1x1x16xf32> to vector<16xf32>
        %parallel_loop3A_404 = vector.shape_cast %parallel_loop3A_395 : vector<16xf32> to vector<1x1x1x16xf32>
        tpu.vector_store %arg5[%parallel_loop3A_398, %parallel_loop3A_399, %parallel_loop3A_400, %parallel_loop3A_401], %parallel_loop3A_404 {strides = array<i32>} : memref<3x4x4x2048xf32, #tpu.memory_space<vmem>>, vector<1x1x1x16xf32>,
        %parallel_loop3A_405 = arith.constant 3 : i32
        %parallel_loop3A_406 = arith.constant 2 : i32
        %parallel_loop3A_407 = arith.index_cast %rem3A_111 : i32 to index
        %parallel_loop3A_408 = arith.index_cast %parallel_loop3A_405 : i32 to index
        %parallel_loop3A_409 = arith.index_cast %parallel_loop3A_406 : i32 to index
        %parallel_loop3A_410 = arith.index_cast %parallel_loop3A_188 : i32 to index
        %parallel_loop3A_411 = tpu.vector_load %arg5[%parallel_loop3A_407, %parallel_loop3A_408, %parallel_loop3A_409, %parallel_loop3A_410] {strides = array<i32>} : memref<3x4x4x2048xf32, #tpu.memory_space<vmem>>, vector<1x1x1x16xf32>,
        %parallel_loop3A_412 = vector.shape_cast %parallel_loop3A_411 : vector<1x1x1x16xf32> to vector<16xf32>
        %parallel_loop3A_413 = arith.addf %parallel_loop3A_412, %parallel_loop3A_350 : vector<16xf32>
        %parallel_loop3A_414 = arith.constant 3 : i32
        %parallel_loop3A_415 = arith.constant 2 : i32
        %parallel_loop3A_416 = arith.index_cast %rem3A_111 : i32 to index
        %parallel_loop3A_417 = arith.index_cast %parallel_loop3A_414 : i32 to index
        %parallel_loop3A_418 = arith.index_cast %parallel_loop3A_415 : i32 to index
        %parallel_loop3A_419 = arith.index_cast %parallel_loop3A_188 : i32 to index
        %parallel_loop3A_420 = tpu.vector_load %arg5[%parallel_loop3A_416, %parallel_loop3A_417, %parallel_loop3A_418, %parallel_loop3A_419] {strides = array<i32>} : memref<3x4x4x2048xf32, #tpu.memory_space<vmem>>, vector<1x1x1x16xf32>,
        %parallel_loop3A_421 = vector.shape_cast %parallel_loop3A_420 : vector<1x1x1x16xf32> to vector<16xf32>
        %parallel_loop3A_422 = vector.shape_cast %parallel_loop3A_413 : vector<16xf32> to vector<1x1x1x16xf32>
        tpu.vector_store %arg5[%parallel_loop3A_416, %parallel_loop3A_417, %parallel_loop3A_418, %parallel_loop3A_419], %parallel_loop3A_422 {strides = array<i32>} : memref<3x4x4x2048xf32, #tpu.memory_space<vmem>>, vector<1x1x1x16xf32>,
        %parallel_loop3A_423 = arith.constant 3 : i32
        %parallel_loop3A_424 = arith.index_cast %rem3A_111 : i32 to index
        %parallel_loop3A_425 = arith.index_cast %parallel_loop3A_423 : i32 to index
        %parallel_loop3A_426 = arith.index_cast %parallel_loop3A_188 : i32 to index
        %parallel_loop3A_427 = tpu.vector_load %arg6[%parallel_loop3A_424, %parallel_loop3A_425, %parallel_loop3A_426] {strides = array<i32>} : memref<3x4x2048xf32, #tpu.memory_space<vmem>>, vector<1x1x16xf32>,
        %parallel_loop3A_428 = vector.shape_cast %parallel_loop3A_427 : vector<1x1x16xf32> to vector<16xf32>
        %parallel_loop3A_429 = arith.constant 0 : i32
        %parallel_loop3A_430 = arith.constant 3 : i32
        %parallel_loop3A_431 = arith.index_cast %rem3A_111 : i32 to index
        %parallel_loop3A_432 = arith.index_cast %parallel_loop3A_429 : i32 to index
        %parallel_loop3A_433 = arith.index_cast %parallel_loop3A_430 : i32 to index
        %parallel_loop3A_434 = arith.index_cast %parallel_loop3A_188 : i32 to index
        %parallel_loop3A_435 = tpu.vector_load %arg5[%parallel_loop3A_431, %parallel_loop3A_432, %parallel_loop3A_433, %parallel_loop3A_434] {strides = array<i32>} : memref<3x4x4x2048xf32, #tpu.memory_space<vmem>>, vector<1x1x1x16xf32>,
        %parallel_loop3A_436 = vector.shape_cast %parallel_loop3A_435 : vector<1x1x1x16xf32> to vector<16xf32>
        %parallel_loop3A_437 = arith.addf %parallel_loop3A_436, %parallel_loop3A_428 : vector<16xf32>
        %parallel_loop3A_438 = arith.constant 0 : i32
        %parallel_loop3A_439 = arith.constant 3 : i32
        %parallel_loop3A_440 = arith.index_cast %rem3A_111 : i32 to index
        %parallel_loop3A_441 = arith.index_cast %parallel_loop3A_438 : i32 to index
        %parallel_loop3A_442 = arith.index_cast %parallel_loop3A_439 : i32 to index
        %parallel_loop3A_443 = arith.index_cast %parallel_loop3A_188 : i32 to index
        %parallel_loop3A_444 = tpu.vector_load %arg5[%parallel_loop3A_440, %parallel_loop3A_441, %parallel_loop3A_442, %parallel_loop3A_443] {strides = array<i32>} : memref<3x4x4x2048xf32, #tpu.memory_space<vmem>>, vector<1x1x1x16xf32>,
        %parallel_loop3A_445 = vector.shape_cast %parallel_loop3A_444 : vector<1x1x1x16xf32> to vector<16xf32>
        %parallel_loop3A_446 = vector.shape_cast %parallel_loop3A_437 : vector<16xf32> to vector<1x1x1x16xf32>
        tpu.vector_store %arg5[%parallel_loop3A_440, %parallel_loop3A_441, %parallel_loop3A_442, %parallel_loop3A_443], %parallel_loop3A_446 {strides = array<i32>} : memref<3x4x4x2048xf32, #tpu.memory_space<vmem>>, vector<1x1x1x16xf32>,
        %parallel_loop3A_447 = arith.constant 1 : i32
        %parallel_loop3A_448 = arith.constant 3 : i32
        %parallel_loop3A_449 = arith.index_cast %rem3A_111 : i32 to index
        %parallel_loop3A_450 = arith.index_cast %parallel_loop3A_447 : i32 to index
        %parallel_loop3A_451 = arith.index_cast %parallel_loop3A_448 : i32 to index
        %parallel_loop3A_452 = arith.index_cast %parallel_loop3A_188 : i32 to index
        %parallel_loop3A_453 = tpu.vector_load %arg5[%parallel_loop3A_449, %parallel_loop3A_450, %parallel_loop3A_451, %parallel_loop3A_452] {strides = array<i32>} : memref<3x4x4x2048xf32, #tpu.memory_space<vmem>>, vector<1x1x1x16xf32>,
        %parallel_loop3A_454 = vector.shape_cast %parallel_loop3A_453 : vector<1x1x1x16xf32> to vector<16xf32>
        %parallel_loop3A_455 = arith.addf %parallel_loop3A_454, %parallel_loop3A_428 : vector<16xf32>
        %parallel_loop3A_456 = arith.constant 1 : i32
        %parallel_loop3A_457 = arith.constant 3 : i32
        %parallel_loop3A_458 = arith.index_cast %rem3A_111 : i32 to index
        %parallel_loop3A_459 = arith.index_cast %parallel_loop3A_456 : i32 to index
        %parallel_loop3A_460 = arith.index_cast %parallel_loop3A_457 : i32 to index
        %parallel_loop3A_461 = arith.index_cast %parallel_loop3A_188 : i32 to index
        %parallel_loop3A_462 = tpu.vector_load %arg5[%parallel_loop3A_458, %parallel_loop3A_459, %parallel_loop3A_460, %parallel_loop3A_461] {strides = array<i32>} : memref<3x4x4x2048xf32, #tpu.memory_space<vmem>>, vector<1x1x1x16xf32>,
        %parallel_loop3A_463 = vector.shape_cast %parallel_loop3A_462 : vector<1x1x1x16xf32> to vector<16xf32>
        %parallel_loop3A_464 = vector.shape_cast %parallel_loop3A_455 : vector<16xf32> to vector<1x1x1x16xf32>
        tpu.vector_store %arg5[%parallel_loop3A_458, %parallel_loop3A_459, %parallel_loop3A_460, %parallel_loop3A_461], %parallel_loop3A_464 {strides = array<i32>} : memref<3x4x4x2048xf32, #tpu.memory_space<vmem>>, vector<1x1x1x16xf32>,
        %parallel_loop3A_465 = arith.constant 2 : i32
        %parallel_loop3A_466 = arith.constant 3 : i32
        %parallel_loop3A_467 = arith.index_cast %rem3A_111 : i32 to index
        %parallel_loop3A_468 = arith.index_cast %parallel_loop3A_465 : i32 to index
        %parallel_loop3A_469 = arith.index_cast %parallel_loop3A_466 : i32 to index
        %parallel_loop3A_470 = arith.index_cast %parallel_loop3A_188 : i32 to index
        %parallel_loop3A_471 = tpu.vector_load %arg5[%parallel_loop3A_467, %parallel_loop3A_468, %parallel_loop3A_469, %parallel_loop3A_470] {strides = array<i32>} : memref<3x4x4x2048xf32, #tpu.memory_space<vmem>>, vector<1x1x1x16xf32>,
        %parallel_loop3A_472 = vector.shape_cast %parallel_loop3A_471 : vector<1x1x1x16xf32> to vector<16xf32>
        %parallel_loop3A_473 = arith.addf %parallel_loop3A_472, %parallel_loop3A_428 : vector<16xf32>
        %parallel_loop3A_474 = arith.constant 2 : i32
        %parallel_loop3A_475 = arith.constant 3 : i32
        %parallel_loop3A_476 = arith.index_cast %rem3A_111 : i32 to index
        %parallel_loop3A_477 = arith.index_cast %parallel_loop3A_474 : i32 to index
        %parallel_loop3A_478 = arith.index_cast %parallel_loop3A_475 : i32 to index
        %parallel_loop3A_479 = arith.index_cast %parallel_loop3A_188 : i32 to index
        %parallel_loop3A_480 = tpu.vector_load %arg5[%parallel_loop3A_476, %parallel_loop3A_477, %parallel_loop3A_478, %parallel_loop3A_479] {strides = array<i32>} : memref<3x4x4x2048xf32, #tpu.memory_space<vmem>>, vector<1x1x1x16xf32>,
        %parallel_loop3A_481 = vector.shape_cast %parallel_loop3A_480 : vector<1x1x1x16xf32> to vector<16xf32>
        %parallel_loop3A_482 = vector.shape_cast %parallel_loop3A_473 : vector<16xf32> to vector<1x1x1x16xf32>
        tpu.vector_store %arg5[%parallel_loop3A_476, %parallel_loop3A_477, %parallel_loop3A_478, %parallel_loop3A_479], %parallel_loop3A_482 {strides = array<i32>} : memref<3x4x4x2048xf32, #tpu.memory_space<vmem>>, vector<1x1x1x16xf32>,
        %parallel_loop3A_483 = arith.constant 3 : i32
        %parallel_loop3A_484 = arith.constant 3 : i32
        %parallel_loop3A_485 = arith.index_cast %rem3A_111 : i32 to index
        %parallel_loop3A_486 = arith.index_cast %parallel_loop3A_483 : i32 to index
        %parallel_loop3A_487 = arith.index_cast %parallel_loop3A_484 : i32 to index
        %parallel_loop3A_488 = arith.index_cast %parallel_loop3A_188 : i32 to index
        %parallel_loop3A_489 = tpu.vector_load %arg5[%parallel_loop3A_485, %parallel_loop3A_486, %parallel_loop3A_487, %parallel_loop3A_488] {strides = array<i32>} : memref<3x4x4x2048xf32, #tpu.memory_space<vmem>>, vector<1x1x1x16xf32>,
        %parallel_loop3A_490 = vector.shape_cast %parallel_loop3A_489 : vector<1x1x1x16xf32> to vector<16xf32>
        %parallel_loop3A_491 = arith.addf %parallel_loop3A_490, %parallel_loop3A_428 : vector<16xf32>
        %parallel_loop3A_492 = arith.constant 3 : i32
        %parallel_loop3A_493 = arith.constant 3 : i32
        %parallel_loop3A_494 = arith.index_cast %rem3A_111 : i32 to index
        %parallel_loop3A_495 = arith.index_cast %parallel_loop3A_492 : i32 to index
        %parallel_loop3A_496 = arith.index_cast %parallel_loop3A_493 : i32 to index
        %parallel_loop3A_497 = arith.index_cast %parallel_loop3A_188 : i32 to index
        %parallel_loop3A_498 = tpu.vector_load %arg5[%parallel_loop3A_494, %parallel_loop3A_495, %parallel_loop3A_496, %parallel_loop3A_497] {strides = array<i32>} : memref<3x4x4x2048xf32, #tpu.memory_space<vmem>>, vector<1x1x1x16xf32>,
        %parallel_loop3A_499 = vector.shape_cast %parallel_loop3A_498 : vector<1x1x1x16xf32> to vector<16xf32>
        %parallel_loop3A_500 = vector.shape_cast %parallel_loop3A_491 : vector<16xf32> to vector<1x1x1x16xf32>
        tpu.vector_store %arg5[%parallel_loop3A_494, %parallel_loop3A_495, %parallel_loop3A_496, %parallel_loop3A_497], %parallel_loop3A_500 {strides = array<i32>} : memref<3x4x4x2048xf32, #tpu.memory_space<vmem>>, vector<1x1x1x16xf32>,
      } {sc.loop_unroll_factor = 4 : i64, sc.parallel_access}
      %mul3A_165 = arith.constant 4 : i32
      %mul3A_166 = arith.muli %scan3A_110, %mul3A_165 : i32
      %add3A_167 = arith.addi %mul3A_2, %mul3A_166 : i32
      %dma_start3A_168 = arith.constant 0 : i32
      %dma_start3A_169 = arith.constant 0 : i32
      %dma_start3A_170 = arith.constant 0 : i32
      %dma_start3A_171 = tpu.memref_slice %arg5[%rem3A_111, %dma_start3A_168, %dma_start3A_169, %dma_start3A_170] : memref<3x4x4x2048xf32, #tpu.memory_space<vmem>> -> memref<1x4x4x2048xf32, #tpu.memory_space<vmem>>
      %dma_start3A_172 = tpu.memref_squeeze %dma_start3A_171 : memref<1x4x4x2048xf32, #tpu.memory_space<vmem>> -> memref<4x4x2048xf32, #tpu.memory_space<vmem>>
      %dma_start3A_173 = arith.constant 0 : i32
      %dma_start3A_174 = arith.constant 0 : i32
      %dma_start3A_175 = tpu.memref_slice %arg4[%dma_start3A_173, %add3A_167, %dma_start3A_174] : memref<4x4096x2048xf32, #tpu.memory_space<hbm>> -> memref<4x4x2048xf32, #tpu.memory_space<hbm>>
      %dma_start3A_176 = tpu.memref_slice %arg8[%rem3A_111] : memref<3x!tpu.dma_semaphore, #tpu.memory_space<semaphore_mem>> -> memref<1x!tpu.dma_semaphore, #tpu.memory_space<semaphore_mem>>
      %dma_start3A_177 = tpu.memref_squeeze %dma_start3A_176 : memref<1x!tpu.dma_semaphore, #tpu.memory_space<semaphore_mem>> -> memref<!tpu.dma_semaphore, #tpu.memory_space<semaphore_mem>>
      %dma_start3A_178 = arith.constant 0 : i32
      %dma_start3A_179 = arith.constant 0 : i32
      %dma_start3A_180 = tpu.memref_slice %arg4[%dma_start3A_178, %add3A_167, %dma_start3A_179] : memref<4x4096x2048xf32, #tpu.memory_space<hbm>> -> memref<4x4x2048xf32, #tpu.memory_space<hbm>>
      %dma_start3A_181 = arith.constant 0 : i32
      %dma_start3A_182 = arith.constant 0 : i32
      %dma_start3A_183 = arith.constant 0 : i32
      %dma_start3A_184 = tpu.memref_slice %arg5[%rem3A_111, %dma_start3A_181, %dma_start3A_182, %dma_start3A_183] : memref<3x4x4x2048xf32, #tpu.memory_space<vmem>> -> memref<1x4x4x2048xf32, #tpu.memory_space<vmem>>
      %dma_start3A_185 = tpu.memref_squeeze %dma_start3A_184 : memref<1x4x4x2048xf32, #tpu.memory_space<vmem>> -> memref<4x4x2048xf32, #tpu.memory_space<vmem>>
      tpu.enqueue_dma source(%dma_start3A_185 : memref<4x4x2048xf32, #tpu.memory_space<vmem>>) target(%dma_start3A_180 : memref<4x4x2048xf32, #tpu.memory_space<hbm>>) target_semaphore(%dma_start3A_177 : memref<!tpu.dma_semaphore, #tpu.memory_space<semaphore_mem>>)
    }
    %scan3A_44 = arith.constant 32 : i32
    %add3A_45 = arith.constant 116 : i32
    %add3A_46 = arith.addi %mul3A_2, %add3A_45 : i32
    %dma_wait3A = arith.constant 2 : i32
    %dma_wait3A_47 = arith.constant 2 : i32
    %dma_wait3A_48 = arith.constant 0 : i32
    %dma_wait3A_49 = arith.constant 0 : i32
    %dma_wait3A_50 = arith.constant 0 : i32
    %dma_wait3A_51 = tpu.memref_slice %arg5[%dma_wait3A, %dma_wait3A_48, %dma_wait3A_49, %dma_wait3A_50] : memref<3x4x4x2048xf32, #tpu.memory_space<vmem>> -> memref<1x4x4x2048xf32, #tpu.memory_space<vmem>>
    %dma_wait3A_52 = tpu.memref_squeeze %dma_wait3A_51 : memref<1x4x4x2048xf32, #tpu.memory_space<vmem>> -> memref<4x4x2048xf32, #tpu.memory_space<vmem>>
    %dma_wait3A_53 = arith.constant 0 : i32
    %dma_wait3A_54 = arith.constant 0 : i32
    %dma_wait3A_55 = tpu.memref_slice %arg4[%dma_wait3A_53, %add3A_46, %dma_wait3A_54] : memref<4x4096x2048xf32, #tpu.memory_space<hbm>> -> memref<4x4x2048xf32, #tpu.memory_space<hbm>>
    %dma_wait3A_56 = tpu.memref_slice %arg8[%dma_wait3A_47] : memref<3x!tpu.dma_semaphore, #tpu.memory_space<semaphore_mem>> -> memref<1x!tpu.dma_semaphore, #tpu.memory_space<semaphore_mem>>
    %dma_wait3A_57 = tpu.memref_squeeze %dma_wait3A_56 : memref<1x!tpu.dma_semaphore, #tpu.memory_space<semaphore_mem>> -> memref<!tpu.dma_semaphore, #tpu.memory_space<semaphore_mem>>
    %dma_wait3A_58 = arith.constant 0 : i32
    %dma_wait3A_59 = arith.constant 0 : i32
    %dma_wait3A_60 = tpu.memref_slice %arg4[%dma_wait3A_58, %add3A_46, %dma_wait3A_59] : memref<4x4096x2048xf32, #tpu.memory_space<hbm>> -> memref<4x4x2048xf32, #tpu.memory_space<hbm>>
    %dma_wait3A_61 = arith.constant 0 : i32
    %dma_wait3A_62 = arith.constant 0 : i32
    %dma_wait3A_63 = arith.constant 0 : i32
    %dma_wait3A_64 = tpu.memref_slice %arg5[%dma_wait3A, %dma_wait3A_61, %dma_wait3A_62, %dma_wait3A_63] : memref<3x4x4x2048xf32, #tpu.memory_space<vmem>> -> memref<1x4x4x2048xf32, #tpu.memory_space<vmem>>
    %dma_wait3A_65 = tpu.memref_squeeze %dma_wait3A_64 : memref<1x4x4x2048xf32, #tpu.memory_space<vmem>> -> memref<4x4x2048xf32, #tpu.memory_space<vmem>>
    tpu.wait_dma2 semaphore(%dma_wait3A_57 : memref<!tpu.dma_semaphore, #tpu.memory_space<semaphore_mem>>) src(%dma_wait3A_65 : memref<4x4x2048xf32, #tpu.memory_space<vmem>>) dst(%dma_wait3A_60 : memref<4x4x2048xf32, #tpu.memory_space<hbm>>)
    %add3A_66 = arith.constant 120 : i32
    %add3A_67 = arith.addi %mul3A_2, %add3A_66 : i32
    %dma_wait3A_68 = arith.constant 0 : i32
    %dma_wait3A_69 = arith.constant 0 : i32
    %dma_wait3A_70 = arith.constant 0 : i32
    %dma_wait3A_71 = arith.constant 0 : i32
    %dma_wait3A_72 = arith.constant 0 : i32
    %dma_wait3A_73 = tpu.memref_slice %arg5[%dma_wait3A_68, %dma_wait3A_70, %dma_wait3A_71, %dma_wait3A_72] : memref<3x4x4x2048xf32, #tpu.memory_space<vmem>> -> memref<1x4x4x2048xf32, #tpu.memory_space<vmem>>
    %dma_wait3A_74 = tpu.memref_squeeze %dma_wait3A_73 : memref<1x4x4x2048xf32, #tpu.memory_space<vmem>> -> memref<4x4x2048xf32, #tpu.memory_space<vmem>>
    %dma_wait3A_75 = arith.constant 0 : i32
    %dma_wait3A_76 = arith.constant 0 : i32
    %dma_wait3A_77 = tpu.memref_slice %arg4[%dma_wait3A_75, %add3A_67, %dma_wait3A_76] : memref<4x4096x2048xf32, #tpu.memory_space<hbm>> -> memref<4x4x2048xf32, #tpu.memory_space<hbm>>
    %dma_wait3A_78 = tpu.memref_slice %arg8[%dma_wait3A_69] : memref<3x!tpu.dma_semaphore, #tpu.memory_space<semaphore_mem>> -> memref<1x!tpu.dma_semaphore, #tpu.memory_space<semaphore_mem>>
    %dma_wait3A_79 = tpu.memref_squeeze %dma_wait3A_78 : memref<1x!tpu.dma_semaphore, #tpu.memory_space<semaphore_mem>> -> memref<!tpu.dma_semaphore, #tpu.memory_space<semaphore_mem>>
    %dma_wait3A_80 = arith.constant 0 : i32
    %dma_wait3A_81 = arith.constant 0 : i32
    %dma_wait3A_82 = tpu.memref_slice %arg4[%dma_wait3A_80, %add3A_67, %dma_wait3A_81] : memref<4x4096x2048xf32, #tpu.memory_space<hbm>> -> memref<4x4x2048xf32, #tpu.memory_space<hbm>>
    %dma_wait3A_83 = arith.constant 0 : i32
    %dma_wait3A_84 = arith.constant 0 : i32
    %dma_wait3A_85 = arith.constant 0 : i32
    %dma_wait3A_86 = tpu.memref_slice %arg5[%dma_wait3A_68, %dma_wait3A_83, %dma_wait3A_84, %dma_wait3A_85] : memref<3x4x4x2048xf32, #tpu.memory_space<vmem>> -> memref<1x4x4x2048xf32, #tpu.memory_space<vmem>>
    %dma_wait3A_87 = tpu.memref_squeeze %dma_wait3A_86 : memref<1x4x4x2048xf32, #tpu.memory_space<vmem>> -> memref<4x4x2048xf32, #tpu.memory_space<vmem>>
    tpu.wait_dma2 semaphore(%dma_wait3A_79 : memref<!tpu.dma_semaphore, #tpu.memory_space<semaphore_mem>>) src(%dma_wait3A_87 : memref<4x4x2048xf32, #tpu.memory_space<vmem>>) dst(%dma_wait3A_82 : memref<4x4x2048xf32, #tpu.memory_space<hbm>>)
    %add3A_88 = arith.constant 124 : i32
    %add3A_89 = arith.addi %mul3A_2, %add3A_88 : i32
    %dma_wait3A_90 = arith.constant 1 : i32
    %dma_wait3A_91 = arith.constant 1 : i32
    %dma_wait3A_92 = arith.constant 0 : i32
    %dma_wait3A_93 = arith.constant 0 : i32
    %dma_wait3A_94 = arith.constant 0 : i32
    %dma_wait3A_95 = tpu.memref_slice %arg5[%dma_wait3A_90, %dma_wait3A_92, %dma_wait3A_93, %dma_wait3A_94] : memref<3x4x4x2048xf32, #tpu.memory_space<vmem>> -> memref<1x4x4x2048xf32, #tpu.memory_space<vmem>>
    %dma_wait3A_96 = tpu.memref_squeeze %dma_wait3A_95 : memref<1x4x4x2048xf32, #tpu.memory_space<vmem>> -> memref<4x4x2048xf32, #tpu.memory_space<vmem>>
    %dma_wait3A_97 = arith.constant 0 : i32
    %dma_wait3A_98 = arith.constant 0 : i32
    %dma_wait3A_99 = tpu.memref_slice %arg4[%dma_wait3A_97, %add3A_89, %dma_wait3A_98] : memref<4x4096x2048xf32, #tpu.memory_space<hbm>> -> memref<4x4x2048xf32, #tpu.memory_space<hbm>>
    %dma_wait3A_100 = tpu.memref_slice %arg8[%dma_wait3A_91] : memref<3x!tpu.dma_semaphore, #tpu.memory_space<semaphore_mem>> -> memref<1x!tpu.dma_semaphore, #tpu.memory_space<semaphore_mem>>
    %dma_wait3A_101 = tpu.memref_squeeze %dma_wait3A_100 : memref<1x!tpu.dma_semaphore, #tpu.memory_space<semaphore_mem>> -> memref<!tpu.dma_semaphore, #tpu.memory_space<semaphore_mem>>
    %dma_wait3A_102 = arith.constant 0 : i32
    %dma_wait3A_103 = arith.constant 0 : i32
    %dma_wait3A_104 = tpu.memref_slice %arg4[%dma_wait3A_102, %add3A_89, %dma_wait3A_103] : memref<4x4096x2048xf32, #tpu.memory_space<hbm>> -> memref<4x4x2048xf32, #tpu.memory_space<hbm>>
    %dma_wait3A_105 = arith.constant 0 : i32
    %dma_wait3A_106 = arith.constant 0 : i32
    %dma_wait3A_107 = arith.constant 0 : i32
    %dma_wait3A_108 = tpu.memref_slice %arg5[%dma_wait3A_90, %dma_wait3A_105, %dma_wait3A_106, %dma_wait3A_107] : memref<3x4x4x2048xf32, #tpu.memory_space<vmem>> -> memref<1x4x4x2048xf32, #tpu.memory_space<vmem>>
    %dma_wait3A_109 = tpu.memref_squeeze %dma_wait3A_108 : memref<1x4x4x2048xf32, #tpu.memory_space<vmem>> -> memref<4x4x2048xf32, #tpu.memory_space<vmem>>
    tpu.wait_dma2 semaphore(%dma_wait3A_101 : memref<!tpu.dma_semaphore, #tpu.memory_space<semaphore_mem>>) src(%dma_wait3A_109 : memref<4x4x2048xf32, #tpu.memory_space<vmem>>) dst(%dma_wait3A_104 : memref<4x4x2048xf32, #tpu.memory_space<hbm>>)
    return
  }
}

</mosaic_0001>

<sc_bundles>
// kernel: kernel.3.cloned.1.call-start
scs
__scs_entry_jumppad:
0x0: {  	(pc) =	sbr.rel $0x88, $3  }
0x1: {  	(tag) =	ssettag $0x0;
	lr =	simm.s32 $0x1  }
0x2: {  	[smem:$0x3F9F] =	sst lr;
	_ =	strace $0xD0000000  }
0x3: {  	_ = 	snop  }
0x4: {  	_ = 	snop  }
0x5: {  	_ = 	snop  }
0x6: {  	_ = 	snop  }
0x7: {  	_ = 	snop  }
__scs_overlays_trampoline_lowered:
0x8: {  	[smem:$0x3FAE] =	sst s0  }
0x9: {  	[smem:$0x3FAF] =	sst s1  }
0xa: {  	[smem:$0x3FB0] =	sst s2  }
0xb: {  	[smem:$0x3FB1] =	sst s3  }
0xc: {  	[smem:$0x3FB2] =	sst s4  }
0xd: {  	[smem:$0x3FB3] =	sst s5  }
0xe: {  	[smem:$0x3FB4] =	sst s6  }
0xf: {  	[smem:$0x3FB5] =	sst s7  }
0x10: {  	[smem:$0x3FB6] =	sst s8  }
0x11: {  	[smem:$0x3FB7] =	sst s9;
	s0 =	simm.s32 @!p0 $0x0  }
0x12: {  	s1 =	sld [smem:$0x3F9D];
	s0 =	simm.s32 @p0 $0x1  }
0x13: {  	[smem:$0x3FB8] =	sst s0;
	s0 =	simm.s32 @!p1 $0x0  }
0x14: {  	s2 =	sld [smem:$0x3F9C];
	s0 =	simm.s32 @p1 $0x1  }
0x15: {  	[smem:$0x3FB9] =	sst s0;
	s0 =	simm.s32 @!p2 $0x0  }
0x16: {  	s3 =	sld [smem:$0x3FDB];
	s0 =	simm.s32 @p2 $0x1  }
0x17: {  	s4 =	simm.s32 $0x1BF5;
	[smem:$0x3FBB] =	sst s0  }
0x18: {  	s0 =	sld [smem:$0x3F9E];
	_ =	swait.ge [sflag:s4], $0x0  }
0x19: {  	s7 =	sld [smem:$0x3F9F]  }
0x1a: {  	s8 =	sadd.s32 $0xFFFFE003, lr  }
0x1b: {  	s9 =	sadd.s32 $0xFFFFFEF7, lr;
	s5 =	simm.s32 $0xFFFFFFFF;
	p2 =	slt.u32 s8, $0xFFFFF086  }
0x1c: {  	p1 =	slt.u32 s9, $0xF7A;
	s5 =	simm.s32 @!p2 $0x0  }
0x1d: {  	s5 =	simm.s32 @p1 $0x1;
	p0 =	seq.s32 s7, s2  }
0x1e: {  	s7 =	smul.u32 @!p0 $0xF7A, s2;
	p2 =	seq.s32 @!p0 s5, $0x0  }
0x1f: {  	s9 =	smul.u32 $0xF7A, s1;
	s8 =	simm.s32 @!p0 $0x1BF5;
	p2 =	por !p2, p0  }
0x20: {  	[sflag:s8] =	ssyncset.s32 @!p0 $0xFFFFF086;
	s6 =	sadd.s32 @!p0 s3, s7;
	s7 =	simm.s32 @!p0 $0x108  }
0x21: {  	s3 =	sadd.s32 s3, s9;
	s6 =	sadd.s32 @!p0 $0x88, s6;
	s7 =	simm.s32 @p2 $0x1082  }
0x22: {  	[simem:s7], [sflag:s8] =	dma.local @!p0 [hbm:s6], $0xF7A  }
0x23: {  	s9 =	sor.u32 $0xD0000000, s2;
	s6 =	simm.s32 $0x108;
	_ =	swait.ge @!p0 [sflag:s8], $0x0  }
0x24: {  	s3 =	sadd.s32 $0x88, s3;
	s6 =	simm.s32 @!p1 $0x1082;
	[sflag:s4] =	ssyncset.s32 $0xFFFFF086  }
0x25: {  	[simem:s6], [sflag:s4] =	dma.local [hbm:s3], $0xF7A  }
0x26: {  	[smem:$0x3F9F] =	sst s1;
	(tag) =	ssettag s2;
	_ =	strace s9  }
0x27: {  	s1 =	sld [smem:$0x3FAF]  }
0x28: {  	s2 =	sld [smem:$0x3FB0]  }
0x29: {  	s4 =	sld [smem:$0x3FB2]  }
0x2a: {  	p0 =	seq.s32 s5, $0x0;
	s5 =	sld [smem:$0x3FB3]  }
0x2b: {  	s6 =	sld [smem:$0x3FB4]  }
0x2c: {  	s7 =	sld [smem:$0x3FB5]  }
0x2d: {  	s3 =	simm.s32 $0x108;
	s8 =	sld [smem:$0x3FB6]  }
0x2e: {  	s3 =	simm.s32 @!p0 $0x1082;
	s9 =	sld [smem:$0x3FB7]  }
0x2f: {  	lr =	sadd.s32 s0, s3;
	s0 =	sld [smem:$0x3FAE]  }
0x30: {  	s3 =	sld [smem:$0x3FB1]  }
0x31: {  	[smem:$0x3FBA] =	sst s10  }
0x32: {  	s10 =	sld [smem:$0x3FB8];
	_ =	sdelay $0x3  }
0x33: {  	p0 =	seq.s32 s10, $0x1;
	s10 =	sld [smem:$0x3FBA];
	_ =	sdelay $0x3  }
0x34: {  	[smem:$0x3FBA] =	sst s10  }
0x35: {  	s10 =	sld [smem:$0x3FB9];
	_ =	sdelay $0x3  }
0x36: {  	p1 =	seq.s32 s10, $0x1;
	s10 =	sld [smem:$0x3FBA];
	_ =	sdelay $0x3  }
0x37: {  	[smem:$0x3FBA] =	sst s10  }
0x38: {  	s10 =	sld [smem:$0x3FBB]  }
0x39: {  	_ = 	snop;
	(pc) =	sbr.ind lr, $3  }
0x3a: {  	_ = 	snop  }
0x3b: {  	_ = 	snop  }
0x3c: {  	p2 =	seq.s32 s10, $0x1;
	s10 =	sld [smem:$0x3FBA]  }
0x3d: {  	_ =	shalt  }
0x3e: {  	_ =	shalt  }
0x3f: {  	_ =	shalt  }
0x40: {  	_ =	shalt  }
0x41: {  	_ =	shalt  }
0x42: {  	_ =	shalt  }
0x43: {  	_ =	shalt  }
0x44: {  	_ =	shalt  }
0x45: {  	_ =	shalt  }
0x46: {  	_ =	shalt  }
0x47: {  	_ =	shalt  }
0x48: {  	_ =	shalt  }
0x49: {  	_ =	shalt  }
0x4a: {  	_ =	shalt  }
0x4b: {  	_ =	shalt  }
0x4c: {  	_ =	shalt  }
0x4d: {  	_ =	shalt  }
0x4e: {  	_ =	shalt  }
0x4f: {  	_ =	shalt  }
0x50: {  	_ =	shalt  }
0x51: {  	_ =	shalt  }
0x52: {  	_ =	shalt  }
0x53: {  	_ =	shalt  }
0x54: {  	_ =	shalt  }
0x55: {  	_ =	shalt  }
0x56: {  	_ =	shalt  }
0x57: {  	_ =	shalt  }
0x58: {  	_ =	shalt  }
0x59: {  	_ =	shalt  }
0x5a: {  	_ =	shalt  }
0x5b: {  	_ =	shalt  }
0x5c: {  	_ =	shalt  }
0x5d: {  	_ =	shalt  }
0x5e: {  	_ =	shalt  }
0x5f: {  	_ =	shalt  }
0x60: {  	_ =	shalt  }
0x61: {  	_ =	shalt  }
0x62: {  	_ =	shalt  }
0x63: {  	_ =	shalt  }
0x64: {  	_ =	shalt  }
0x65: {  	_ =	shalt  }
0x66: {  	_ =	shalt  }
0x67: {  	_ =	shalt  }
0x68: {  	_ =	shalt  }
0x69: {  	_ =	shalt  }
0x6a: {  	_ =	shalt  }
0x6b: {  	_ =	shalt  }
0x6c: {  	_ =	shalt  }
0x6d: {  	_ =	shalt  }
0x6e: {  	_ =	shalt  }
0x6f: {  	_ =	shalt  }
0x70: {  	_ =	shalt  }
0x71: {  	_ =	shalt  }
0x72: {  	_ =	shalt  }
0x73: {  	_ =	shalt  }
0x74: {  	_ =	shalt  }
0x75: {  	_ =	shalt  }
0x76: {  	_ =	shalt  }
0x77: {  	_ =	shalt  }
0x78: {  	_ =	shalt  }
0x79: {  	_ =	shalt  }
0x7a: {  	_ =	shalt  }
0x7b: {  	_ =	shalt  }
0x7c: {  	_ =	shalt  }
0x7d: {  	_ =	shalt  }
0x7e: {  	_ =	shalt  }
0x7f: {  	_ =	shalt  }
0x80: {  	_ =	shalt  }
0x81: {  	_ =	shalt  }
0x82: {  	_ =	shalt  }
0x83: {  	_ =	shalt  }
0x84: {  	_ =	shalt  }
0x85: {  	_ =	shalt  }
0x86: {  	_ =	shalt  }
0x87: {  	_ =	shalt  }
.Lfunc_end0:
.L_simem_size_0:
called_computation_lowered:
.L_overlay_start_0:
0x88: {  	s2 =	sld [smem:$0x3FD9]  }
0x89: {  	s3 =	sld [smem:$0x3FFE];
	_ =	sdelay $0x1  }
0x8a: {  	s1 =	srdreg.scid  }
0x8b: {  	s0 =	sand.u32 $0x1, s1  }
0x8c: {  	s18 =	sshll.u32 s0, $0xA;
	s2 =	sadd.s32 s3, s2  }
0x8d: {  	s2 =	sadd.s32 s2, s18  }
0x8e: {  	[smem:$0x3FC6] =	sst s2  }
0x8f: {  	_ = 	snop  }
0x90: {  	s2 =	sld [smem:$0x3FC9]  }
0x91: {  	s19 =	sld [smem:$0x3FC8]  }
0x92: {  	s4 =	sld [smem:$0x3FD0];
	(tm) =	ssettm $0x1  }
0x93: {  	s5 =	sld [smem:$0x3FFB];
	_ =	sdelay $0x3  }
0x94: {  	_ =	strace s5  }
0x95: {  	s5 =	sld [smem:$0x3FFC];
	_ =	sdelay $0x3  }
0x96: {  	_ =	strace s5  }
0x97: {  	s5 =	sld [smem:$0x3FFD];
	_ =	sdelay $0x3  }
0x98: {  	_ =	strace s5  }
0x99: {  	_ =	strace $0x8FFFFFFF  }
0x9a: {  	s20 =	sld [smem:$0x3FDB];
	_ =	sdelay $0x1  }
0x9b: {  	s6 =	simm.s32 $_scs_section_size  }
0x9c: {  	s7 =	simm.s32 $_size__tile_overlayer_lowered;
	s8 =	simm.s32 $_tile_overlayer_lowered  }
0x9d: {  	s23 =	simm.s32 $0x1BFF;
	s22 =	sshll.u32 s8, $0x1;
	s5 =	sadd.s32 s6, s20  }
0x9e: {  	s9 =	simm.s32 $0x0;
	s21 =	sshll.u32 s7, $0x1;
	s7 =	sadd.s32 s22, s5  }
0x9f: {  	[timem:s9], [sflag:s23] =	dma.local [hbm:s7], s21  }
0xa0: {  	_ =	swait.ge [sflag:s23], s21  }
0xa1: {  	s6 =	ssub.s32 $0x0, s21;
	[sflag:s23] =	ssyncset.done $0x0  }
0xa2: {  	[sflag:s23] =	ssyncadd.s32 s6;
	_ =	sdelay $0x1  }
0xa3: {  	s24 =	simm.s32 $0x1B8B  }
0xa4: {  	_ =	swait.ge [sflag:s24], $0x1  }
0xa5: {  	[sflag:s24] =	ssyncset.done $0x0  }
0xa6: {  	s25 =	simm.s32 $0x1B8E;
	[sflag:s24] =	ssyncadd.s32 $0xFFFFFFFF  }
0xa7: {  	s26 =	simm.s32 $execute0_lowered;
	[smem:$0x3FD2] =	sst s25  }
0xa8: {  	s6 =	sshll.u32 s26, $0x1;
	_ =	strace $0x80000046;
	[dreg:$0x1] =	wrdreg $0xFFFFFFFF  }
0xa9: {  	s28 =	simm.s32 $_size_execute0_lowered;
	s5 =	sadd.s32 s5, s6;
	[dreg:$0x0] =	wrdreg $0x0  }
0xaa: {  	s6 =	sshll.u32 s28, $0x1;
	[dreg:$0x2] =	wrdreg s5  }
0xab: {  	[dreg:$0x3] =	wrdreg s6  }
0xac: {  	[dreg:$0x4] =	wrdreg $0xC0  }
0xad: {  	_ =	task [dreg:s9], $0x5FFFF  }
0xae: {  	[dreg:$0x1] =	wrdreg $0xFFFFFFFF  }
0xaf: {  	[dreg:$0x0] =	wrdreg $0x60  }
0xb0: {  	[dreg:$0x2] =	wrdreg s2  }
0xb1: {  	[dreg:$0x3] =	wrdreg s19  }
0xb2: {  	[dreg:$0x4] =	wrdreg s4  }
0xb3: {  	[dreg:$0x5] =	wrdreg $0x9  }
0xb4: {  	_ =	task.clear_ibuf [dreg:s9], $0x6FFFF;
	_ =	strace $0x90000046  }
0xb5: {  	s29 =	simm.s32 $0x9;
	_ =	strace $0x80000048  }
0xb6: {  	_ =	swait.ge [sflag:s29], $0x1  }
0xb7: {  	[sflag:s29] =	ssyncadd.s32 $0xFFFFFFFF  }
0xb8: {  	_ =	strace $0x90000048  }
0xb9: {  	_ =	sfence  }
0xba: {  	s30 =	sld [smem:$0x0];
	_ =	sdelay $0x2  }
0xbb: {  	s31 =	sshll.u32 s1, $0xD;
	s1 =	sshrl.u32 s1, $0x2  }
0xbc: {  	s3 =	sand.u32 $0x4000, s31;
	s1 =	sadd.s32 s1, s30  }
0xbd: {  	s0 =	sor.u32 s3, s0;
	s1 =	sshll.u32 s1, $0x11  }
0xbe: {  	s0 =	sor.u32 s1, s0  }
0xbf: {  	s0 =	sadd.s32 $0x8F2B, s0  }
0xc0: {  	[sflag:s0] =	ssyncadd.remote.s32 $0x1  }
0xc1: {  	_ =	sfence.sel $0xFFFF  }
0xc2: {  	[dreg:$0x0] =	wrdreg $0xFFFFFFFF;
	(pc) =	sbr.abs _section_cstart, $3  }
0xc3: {  	[dreg:$0x1] =	wrdreg $0xFFFFFFFF  }
0xc4: {  	_ =	task.clear_ibuf [dreg:s9], $0x2FFFF;
	_ =	strace $0x9FFFFFFF  }
0xc5: {  	(tm) =	ssettm $0x7FFFFFFF  }
tec
execute0_lowered:
.L_overlay_start_1:
0x0: {  	(tag) =	ssettag $0x1  }
0x1: {  	s5 =	rddreg [dreg:$0x0]  }
0x2: {  	s6 =	rddreg [dreg:$0x1]  }
0x3: {  	s0 =	rddreg [dreg:$0x2];
	s1 =	srdreg.scid  }
0x4: {  	s2 =	simm.s32 $0x0;
	s3 =	stileid.u32;
	s1 =	sand.u32 $0x1, s1  }
0x5: {  	s3 =	sshll.u32 s3, $0x10;
	s23 =	ssub.s32 $0x2, s1;
	s1 =	sshll.u32 s1, $0xF  }
0x6: {  	[smem:$0x7FF] =	sst s2;
	s3 =	sor.u32 s1, s3  }
0x7: {  	_ =	strace $0x80000047;
	s26 =	sadd.s32 s6, s3;
	[dreg:$0x8] =	wrdreg s3  }
0x8: {  	s4 =	sshrl.u32 s23, $0x1;
	s0 =	sadd.s32 s0, s3;
	[dreg:$0xa] =	wrdreg s26  }
0x9: {  	s24 =	ssub.s32 s23, s4;
	s25 =	sadd.s32 s5, s3;
	[dreg:$0xb] =	wrdreg s0  }
0xa: {  	s28 =	smax.u32 s24, $0x1;
	[dreg:$0x9] =	wrdreg s25  }
0xb: {  	s29 =	sadd.s32 $0x100000, s25;
	[dreg:$0xc] =	wrdreg s28  }
0xc: {  	s30 =	sadd.s32 $0x200000, s25;
	[dreg:$0xd] =	wrdreg s29  }
0xd: {  	s31 =	sadd.s32 $0x300000, s25;
	[dreg:$0xe] =	wrdreg s30  }
0xe: {  	s2 =	simm.s32 $0x0;
	[dreg:$0xf] =	wrdreg s31  }
.LBB2_1:
0xf: {  	[dreg:$0x10] =	wrdreg s2;
	s0 =	simm.s32 $0x0  }
0x10: {  	s1 =	rddreg [dreg:$0x9];
	s22 =	simm.s32 $0x200;
	s3 =	simm.s32 $0x400  }
0x11: {  	[tilespmem:s0], [sflag:$0x1] =	stream.strided.gather [hbm4b:s1+s22], $0x2000, s3, s22, $0x38;
	[tilespmem:$0x1E000] =	vst v63  }
0x12: {  	s23 =	rddreg [dreg:$0xd];
	s24 =	simm.s32 $0x2000  }
0x13: {  	[tilespmem:s24], [sflag:$0x1] =	stream.strided.gather [hbm4b:s23+s22], $0x2000, s3, s22, $0x38;
	[tilespmem:$0x1E000] =	vst v63  }
0x14: {  	s25 =	rddreg [dreg:$0xe];
	s26 =	simm.s32 $0x4000  }
0x15: {  	[tilespmem:s26], [sflag:$0x1] =	stream.strided.gather [hbm4b:s25+s22], $0x2000, s3, s22, $0x38;
	[tilespmem:$0x1E000] =	vst v63  }
0x16: {  	s28 =	rddreg [dreg:$0xf];
	s29 =	simm.s32 $0x6000  }
0x17: {  	[tilespmem:s29], [sflag:$0x1] =	stream.strided.gather [hbm4b:s28+s22], $0x2000, s3, s22, $0x38;
	[tilespmem:$0x1E000] =	vst v63  }
0x18: {  	s30 =	rddreg [dreg:$0xa];
	s31 =	simm.s32 $0x18000;
	s11 =	simm.s32 $0x0  }
0x19: {  	[tilespmem:s31], [sflag:$0x1] =	stream.strided.gather [hbm4b:s30+s22], $0x2000, s3, s22, $0x38;
	[tilespmem:$0x1E000] =	vst v63  }
.LBB2_2:
0x1a: {  	s0 =	smul.u32 $0xAB, s11;
	_ =	sdelay $0x1  }
0x1b: {  	s1 =	sadd.s32 $0xAB, s0  }
0x1c: {  	p0 =	slt.u32 s11, $0x2;
	s1 =	sshrl.u32 s1, $0x9  }
.Ltmp0:
0x1d: {  	s1 =	sand.u32 $0x7F, s1;
	(pc) =	sbr.rel @p0 .LBB2_5-.Ltmp0, $4  }
0x1e: {  	s1 =	smul.u32 $0x3, s1  }
0x1f: {  	s10 =	sadd.s32 $0x1, s11  }
0x20: {  	s1 =	ssub.s32 s10, s1  }
0x21: {  	s1 =	sand.u32 $0xFF, s1  }
0x22: {  	p0 =	seq.s32 s11, $0x1F  }
.Ltmp1:
0x23: {  	_ = 	snop;
	(pc) =	sbr.rel @p0 .LBB2_6-.Ltmp1, $1  }
0x24: {  	_ =	sdelay $0x3  }
0x25: {  	s2 =	sadd.s32 $0x4, s1  }
0x26: {  	_ =	swait.ge [sflag:s2], $0x8000  }
0x27: {  	[sflag:s2] =	ssyncset.done $0x0  }
0x28: {  	[sflag:s2] =	ssyncadd.s32 $0xFFFF8000  }
.LBB2_5:
0x29: {  	s2 =	sshll.u32 s10, $0xA;
	s3 =	rddreg [dreg:$0x8]  }
0x2a: {  	s25 =	sshll.u32 s10, $0x6;
	s2 =	sadd.s32 s3, s2  }
0x2b: {  	s26 =	sadd.s32 $0x1, s1;
	s3 =	sand.u32 $0x40, s25;
	s2 =	sand.u32 $0x1FF800, s2  }
0x2c: {  	s4 =	sshll.u32 s1, $0xF;
	s5 =	rddreg [dreg:$0x0];
	s2 =	sor.u32 s3, s2  }
0x2d: {  	s8 =	simm.s32 $0x200;
	s9 =	simm.s32 $0x400;
	s5 =	sadd.s32 s5, s2  }
0x2e: {  	[tilespmem:s4], [sflag:s26] =	stream.strided.gather [hbm4b:s5+s8], $0x2000, s9, s8, $0x38;
	[tilespmem:$0x1E000] =	vst v63  }
0x2f: {  	s7 =	sor.u32 $0x2000, s4;
	s6 =	sadd.s32 $0x100000, s5  }
0x30: {  	[tilespmem:s7], [sflag:s26] =	stream.strided.gather [hbm4b:s6+s8], $0x2000, s9, s8, $0x38;
	[tilespmem:$0x1E000] =	vst v63  }
0x31: {  	s30 =	sshll.u32 s1, $0xD;
	s29 =	sor.u32 $0x4000, s4;
	s28 =	sadd.s32 $0x200000, s5  }
0x32: {  	[tilespmem:s29], [sflag:s26] =	stream.strided.gather [hbm4b:s28+s8], $0x2000, s9, s8, $0x38;
	[tilespmem:$0x1E000] =	vst v63  }
0x33: {  	s31 =	rddreg [dreg:$0x1];
	s5 =	sadd.s32 $0x300000, s5;
	s4 =	sor.u32 $0x6000, s4  }
0x34: {  	[tilespmem:s4], [sflag:s26] =	stream.strided.gather [hbm4b:s5+s8], $0x2000, s9, s8, $0x38;
	[tilespmem:$0x1E000] =	vst v63  }
0x35: {  	s1 =	sadd.s32 $0x18000, s30;
	s2 =	sadd.s32 s31, s2  }
0x36: {  	[tilespmem:s1], [sflag:s26] =	stream.strided.gather [hbm4b:s2+s8], $0x2000, s9, s8, $0x38;
	[tilespmem:$0x1E000] =	vst v63  }
.LBB2_6:
0x37: {  	s0 =	sshrl.u32 s0, $0x9  }
0x38: {  	s0 =	sand.u32 $0x7F, s0  }
0x39: {  	s0 =	smul.u32 $0x3, s0;
	_ =	sdelay $0x1  }
0x3a: {  	s0 =	ssub.s32 s11, s0  }
0x3b: {  	[dreg:$0x11] =	wrdreg s10;
	s24 =	simm.s32 $0x0;
	s1 =	sand.u32 $0xFF, s0  }
0x3c: {  	[dreg:$0x12] =	wrdreg s11;
	s2 =	sand.u32 $0x40, s24;
	s0 =	sadd.s32 $0x1, s1  }
0x3d: {  	s4 =	sand.u32 $0x1E00, s24;
	s5 =	sshll.u32 s1, $0xF;
	_ =	swait.ge [sflag:s0], $0x8000  }
0x3e: {  	[dreg:$0x13] =	wrdreg s1;
	s1 =	sshrl.u32 s5, $0x2;
	[sflag:s0] =	ssyncset.done $0x0  }
0x3f: {  	s18 =	sor.u32 $0x30, s2;
	s1 =	sadd.s32 $0x18000, s1;
	[sflag:s0] =	ssyncadd.s32 $0xFFFF8000  }
0x40: {  	s13 =	sadd.s32 s4, s5;
	_ =	swait.ge [sflag:s0], $0x2000;
	[dreg:$0x4] =	wrdreg s1  }
0x41: {  	s29 =	sadd.s32 s18, s13;
	s3 =	rddreg [dreg:$0x4];
	[sflag:s0] =	ssyncset.done $0x0  }
0x42: {  	[dreg:$0x5] =	wrdreg s5;
	[sflag:s0] =	ssyncadd.s32 $0xFFFFE000;
	s19 =	sadd.s32 s4, s3  }
0x43: {  	s21 =	sadd.s32 $0x2000, s13;
	s23 =	sadd.s32 s18, s19;
	v0 =	vld [tilespmem:s29+$0x0]  }
0x44: {  	s8 =	sadd.s32 $0x4000, s13;
	s26 =	sadd.s32 s18, s21;
	v1 =	vld [tilespmem:s23+$0x0]  }
0x45: {  	s9 =	sadd.s32 $0x6000, s13;
	s30 =	sadd.s32 s18, s8;
	v2 =	vld [tilespmem:s26+$0x0]  }
0x46: {  	s6 =	sadd.s32 s18, s9;
	v3 =	vld [tilespmem:s30+$0x0]  }
0x47: {  	s28 =	sor.u32 $0x20, s2;
	v4 =	vld [tilespmem:s6+$0x0]  }
0x48: {  	s15 =	sadd.s32 s28, s21  }
0x49: {  	s25 =	sor.u32 $0x10, s2;
	s20 =	sadd.s32 s2, s19;
	v11 =	vld [tilespmem:s15+$0x0];
	v0 =	vadd.f32 v0, v1  }
0x4a: {  	s22 =	sadd.s32 s25, s19;
	v5 =	vld [tilespmem:s20+$0x0];
	v2 =	vadd.f32 v2, v1  }
0x4b: {  	s14 =	sadd.s32 s28, s19;
	s19 =	sadd.s32 s2, s21;
	v6 =	vld [tilespmem:s22+$0x0];
	[tilespmem:s29+$0x0] =	vst v0;
	v0 =	vadd.f32 v3, v1  }
0x4c: {  	s12 =	sadd.s32 s2, s8;
	v3 =	vld [tilespmem:s19+$0x0];
	v1 =	vadd.f32 v4, v1;
	[tilespmem:s26+$0x0] =	vst v2  }
0x4d: {  	s7 =	sadd.s32 s2, s9;
	v2 =	vld [tilespmem:s12+$0x0];
	[tilespmem:s30+$0x0] =	vst v0  }
0x4e: {  	v0 =	vld [tilespmem:s7+$0x0];
	[tilespmem:s6+$0x0] =	vst v1  }
0x4f: {  	v1 =	vld [tilespmem:s29+$0x80]  }
0x50: {  	v4 =	vld [tilespmem:s23+$0x80]  }
0x51: {  	v8 =	vld [tilespmem:s26+$0x80]  }
0x52: {  	v9 =	vld [tilespmem:s30+$0x80];
	v3 =	vadd.f32 v3, v5  }
0x53: {  	s10 =	sadd.s32 s25, s21;
	v10 =	vld [tilespmem:s6+$0x80];
	v2 =	vadd.f32 v2, v5  }
0x54: {  	s17 =	sadd.s32 s25, s8;
	[tilespmem:s19+$0x0] =	vst v3;
	v0 =	vadd.f32 v0, v5;
	v3 =	vld [tilespmem:s10+$0x0]  }
0x55: {  	s18 =	sadd.s32 s25, s9;
	[tilespmem:s12+$0x0] =	vst v2;
	v2 =	vld [tilespmem:s17+$0x0];
	v1 =	vadd.f32 v1, v4  }
0x56: {  	[tilespmem:s7+$0x0] =	vst v0;
	v0 =	vld [tilespmem:s18+$0x0];
	v8 =	vadd.f32 v8, v4  }
0x57: {  	s3 =	sadd.s32 s28, s8;
	v7 =	vld [tilespmem:s14+$0x0];
	[tilespmem:s29+$0x80] =	vst v1;
	v1 =	vadd.f32 v9, v4  }
0x58: {  	s0 =	sadd.s32 s28, s9;
	v9 =	vld [tilespmem:s3+$0x0];
	v4 =	vadd.f32 v10, v4;
	[tilespmem:s26+$0x80] =	vst v8  }
0x59: {  	v3 =	vadd.f32 v3, v6;
	v8 =	vld [tilespmem:s0+$0x0];
	[tilespmem:s30+$0x80] =	vst v1  }
0x5a: {  	v1 =	vadd.f32 v2, v6;
	[tilespmem:s6+$0x80] =	vst v4  }
0x5b: {  	v10 =	vld [tilespmem:s19+$0x80];
	[tilespmem:s10+$0x0] =	vst v3;
	v0 =	vadd.f32 v0, v6  }
0x5c: {  	v2 =	vld [tilespmem:s29+$0x100];
	[tilespmem:s17+$0x0] =	vst v1;
	v1 =	vadd.f32 v11, v7  }
0x5d: {  	s9 =	sadd.s32 s2, s13;
	v3 =	vld [tilespmem:s23+$0x100];
	[tilespmem:s18+$0x0] =	vst v0;
	v0 =	vadd.f32 v9, v7  }
0x5e: {  	s16 =	sadd.s32 s25, s13;
	[tilespmem:s15+$0x0] =	vst v1;
	v1 =	vadd.f32 v8, v7;
	v8 =	vld [tilespmem:s9+$0x0]  }
0x5f: {  	[tilespmem:s3+$0x0] =	vst v0;
	v0 =	vld [tilespmem:s16+$0x0]  }
0x60: {  	v4 =	vld [tilespmem:s26+$0x100]  }
0x61: {  	v11 =	vld [tilespmem:s12+$0x80]  }
0x62: {  	s4 =	sadd.s32 s28, s13;
	v9 =	vld [tilespmem:s30+$0x100];
	[tilespmem:s0+$0x0] =	vst v1  }
0x63: {  	v1 =	vld [tilespmem:s4+$0x0];
	v5 =	vadd.f32 v8, v5  }
0x64: {  	v8 =	vld [tilespmem:s7+$0x80];
	v0 =	vadd.f32 v0, v6  }
0x65: {  	v2 =	vadd.f32 v2, v3;
	v6 =	vld [tilespmem:s6+$0x100];
	[tilespmem:s9+$0x0] =	vst v5  }
0x66: {  	v4 =	vadd.f32 v4, v3;
	v5 =	vld [tilespmem:s20+$0x80];
	[tilespmem:s16+$0x0] =	vst v0  }
0x67: {  	v9 =	vadd.f32 v9, v3;
	[tilespmem:s29+$0x100] =	vst v2;
	v0 =	vld [tilespmem:s22+$0x80]  }
0x68: {  	[tilespmem:s26+$0x100] =	vst v4;
	v1 =	vadd.f32 v1, v7;
	v7 =	vld [tilespmem:s10+$0x80]  }
0x69: {  	[tilespmem:s30+$0x100] =	vst v9;
	v12 =	vld [tilespmem:s17+$0x80]  }
0x6a: {  	v13 =	vld [tilespmem:s6+$0x180];
	[tilespmem:s4+$0x0] =	vst v1  }
0x6b: {  	v1 =	vld [tilespmem:s14+$0x80]  }
0x6c: {  	v2 =	vadd.f32 v10, v5;
	v10 =	vld [tilespmem:s18+$0x80]  }
0x6d: {  	v4 =	vadd.f32 v11, v5;
	v11 =	vld [tilespmem:s15+$0x80]  }
0x6e: {  	v8 =	vadd.f32 v8, v5;
	[tilespmem:s19+$0x80] =	vst v2;
	v2 =	vld [tilespmem:s3+$0x80]  }
0x6f: {  	v7 =	vadd.f32 v7, v0;
	[tilespmem:s12+$0x80] =	vst v4;
	v4 =	vld [tilespmem:s0+$0x80]  }
0x70: {  	v9 =	vld [tilespmem:s9+$0x80];
	[tilespmem:s7+$0x80] =	vst v8;
	v8 =	vadd.f32 v12, v0  }
0x71: {  	v12 =	vld [tilespmem:s16+$0x80];
	[tilespmem:s10+$0x80] =	vst v7;
	v7 =	vadd.f32 v10, v0  }
0x72: {  	v10 =	vadd.f32 v11, v1;
	v11 =	vld [tilespmem:s19+$0x100];
	[tilespmem:s17+$0x80] =	vst v8  }
0x73: {  	v8 =	vld [tilespmem:s4+$0x80];
	[tilespmem:s18+$0x80] =	vst v7;
	v2 =	vadd.f32 v2, v1  }
0x74: {  	v7 =	vld [tilespmem:s12+$0x100];
	[tilespmem:s15+$0x80] =	vst v10;
	v4 =	vadd.f32 v4, v1  }
0x75: {  	v5 =	vadd.f32 v9, v5;
	v9 =	vld [tilespmem:s7+$0x100];
	[tilespmem:s3+$0x80] =	vst v2  }
0x76: {  	v0 =	vadd.f32 v12, v0;
	v2 =	vld [tilespmem:s10+$0x100];
	[tilespmem:s0+$0x80] =	vst v4  }
0x77: {  	v4 =	vld [tilespmem:s17+$0x100];
	[tilespmem:s9+$0x80] =	vst v5  }
0x78: {  	v1 =	vadd.f32 v8, v1;
	[tilespmem:s16+$0x80] =	vst v0;
	v5 =	vld [tilespmem:s20+$0x100]  }
0x79: {  	v0 =	vld [tilespmem:s22+$0x100]  }
0x7a: {  	v8 =	vld [tilespmem:s18+$0x100];
	[tilespmem:s4+$0x80] =	vst v1  }
0x7b: {  	v1 =	vld [tilespmem:s14+$0x100]  }
0x7c: {  	v3 =	vadd.f32 v6, v3;
	v6 =	vld [tilespmem:s15+$0x100]  }
0x7d: {  	v12 =	vld [tilespmem:s0+$0x100];
	v10 =	vadd.f32 v11, v5  }
0x7e: {  	[tilespmem:s6+$0x100] =	vst v3;
	v11 =	vld [tilespmem:s3+$0x100];
	v3 =	vadd.f32 v7, v5  }
0x7f: {  	v7 =	vld [tilespmem:s9+$0x100];
	v9 =	vadd.f32 v9, v5;
	[tilespmem:s19+$0x100] =	vst v10  }
0x80: {  	v2 =	vadd.f32 v2, v0;
	[tilespmem:s12+$0x100] =	vst v3;
	v3 =	vld [tilespmem:s16+$0x100]  }
0x81: {  	v4 =	vadd.f32 v4, v0;
	[tilespmem:s7+$0x100] =	vst v9;
	v9 =	vld [tilespmem:s4+$0x100]  }
0x82: {  	v8 =	vadd.f32 v8, v0;
	[tilespmem:s10+$0x100] =	vst v2;
	v10 =	vld [tilespmem:s19+$0x180]  }
0x83: {  	v2 =	vadd.f32 v6, v1;
	[tilespmem:s17+$0x100] =	vst v4;
	v6 =	vld [tilespmem:s12+$0x180]  }
0x84: {  	v4 =	vadd.f32 v7, v5;
	v5 =	vld [tilespmem:s7+$0x180];
	[tilespmem:s18+$0x100] =	vst v8  }
0x85: {  	v14 =	vld [tilespmem:s10+$0x180]  }
0x86: {  	[tilespmem:s9+$0x100] =	vst v4;
	v4 =	vld [tilespmem:s17+$0x180];
	v3 =	vadd.f32 v3, v0  }
0x87: {  	[tilespmem:s15+$0x100] =	vst v2;
	v0 =	vld [tilespmem:s23+$0x180];
	v2 =	vadd.f32 v9, v1  }
0x88: {  	v7 =	vadd.f32 v11, v1;
	[tilespmem:s16+$0x100] =	vst v3;
	v3 =	vld [tilespmem:s20+$0x180]  }
0x89: {  	v8 =	vadd.f32 v12, v1;
	[tilespmem:s4+$0x100] =	vst v2  }
0x8a: {  	v1 =	vld [tilespmem:s22+$0x180];
	[tilespmem:s3+$0x100] =	vst v7  }
0x8b: {  	v9 =	vld [tilespmem:s18+$0x180];
	[tilespmem:s0+$0x100] =	vst v8  }
0x8c: {  	v11 =	vadd.f32 v13, v0;
	v8 =	vld [tilespmem:s15+$0x180]  }
0x8d: {  	v2 =	vld [tilespmem:s14+$0x180];
	v13 =	vadd.f32 v10, v3  }
0x8e: {  	v7 =	vld [tilespmem:s3+$0x180];
	[tilespmem:s6+$0x180] =	vst v11  }
0x8f: {  	s31 =	simm.s32 $0x0;
	v15 =	vadd.f32 v6, v3;
	v6 =	vld [tilespmem:s0+$0x180];
	[tilespmem:s19+$0x180] =	vst v13  }
0x90: {  	v12 =	vadd.f32 v5, v3;
	v10 =	vadd.f32 v14, v1;
	v5 =	vld [tilespmem:s26+$0x180];
	[dreg:$0x6] =	wrdreg s31  }
0x91: {  	v11 =	vadd.f32 v4, v1;
	v9 =	vadd.f32 v9, v1;
	[tilespmem:s12+$0x180] =	vst v15;
	v4 =	vld [tilespmem:s30+$0x180];
	s12 =	simm.s32 $0x0  }
.LBB2_7:
0x92: {  	v13 =	vld [tilespmem:s9+$0x180];
	s20 =	sadd.s32 $0x100, s24;
	s12 =	sadd.s32 $0x40, s12  }
0x93: {  	s6 =	rddreg [dreg:$0x5];
	[tilespmem:s7+$0x180] =	vst v12;
	s5 =	sand.u32 $0x40, s12;
	s2 =	sand.u32 $0x1E00, s20;
	v12 =	vld [tilespmem:s16+$0x180]  }
0x94: {  	[tilespmem:s10+$0x180] =	vst v10;
	v10 =	vld [tilespmem:s4+$0x180];
	s8 =	sadd.s32 s2, s6;
	s10 =	sor.u32 $0x30, s5  }
0x95: {  	s1 =	rddreg [dreg:$0x4];
	[tilespmem:s18+$0x180] =	vst v9;
	v9 =	vld [tilespmem:s29+$0x180];
	s13 =	sadd.s32 s10, s8;
	s24 =	sadd.s32 $0x4000, s8  }
0x96: {  	[tilespmem:s17+$0x180] =	vst v11;
	s2 =	sadd.s32 s2, s1;
	v8 =	vadd.f32 v8, v2;
	v11 =	vld [tilespmem:s13+$0x0];
	s6 =	sadd.s32 s5, s24  }
0x97: {  	s23 =	sadd.s32 $0x2000, s8;
	s1 =	sadd.s32 s10, s2;
	v7 =	vadd.f32 v7, v2;
	v14 =	vld [tilespmem:s6+$0x180]  }
0x98: {  	s11 =	smov.u32 s26;
	v6 =	vadd.f32 v6, v2;
	s25 =	sadd.s32 s10, s23;
	[tilespmem:s15+$0x180] =	vst v8;
	v8 =	vld [tilespmem:s1+$0x0]  }
0x99: {  	s14 =	sor.u32 $0x10, s5;
	s26 =	sor.u32 $0x20, s5;
	v5 =	vadd.f32 v5, v0;
	s28 =	sadd.s32 s10, s24;
	[tilespmem:s3+$0x180] =	vst v7;
	v7 =	vld [tilespmem:s25+$0x0]  }
0x9a: {  	s18 =	sadd.s32 s5, s2;
	s31 =	sadd.s32 $0x6000, s8;
	s19 =	sadd.s32 s5, s23;
	v3 =	vadd.f32 v13, v3;
	[tilespmem:s0+$0x180] =	vst v6;
	v6 =	vld [tilespmem:s28+$0x0]  }
0x9b: {  	s22 =	sadd.s32 s14, s2;
	s21 =	sadd.s32 s26, s2;
	s2 =	sadd.s32 s10, s31;
	v1 =	vadd.f32 v12, v1;
	[tilespmem:s11+$0x180] =	vst v5;
	v5 =	vld [tilespmem:s19+$0x0]  }
0x9c: {  	v2 =	vadd.f32 v10, v2;
	s0 =	sadd.s32 s26, s31;
	[tilespmem:s9+$0x180] =	vst v3;
	v3 =	vld [tilespmem:s2+$0x0]  }
0x9d: {  	v4 =	vadd.f32 v4, v0;
	v0 =	vadd.f32 v9, v0;
	v12 =	vld [tilespmem:s0+$0x100];
	[tilespmem:s16+$0x180] =	vst v1  }
0x9e: {  	v1 =	vld [tilespmem:s18+$0x0];
	[tilespmem:s4+$0x180] =	vst v2;
	v9 =	vadd.f32 v11, v8  }
0x9f: {  	s15 =	sadd.s32 s26, s23;
	[tilespmem:s29+$0x180] =	vst v0;
	v2 =	vld [tilespmem:s22+$0x0];
	v7 =	vadd.f32 v7, v8  }
0xa0: {  	s3 =	sadd.s32 s26, s24;
	s4 =	sadd.s32 s26, s8;
	s26 =	smov.u32 s25;
	v0 =	vld [tilespmem:s21+$0x0];
	v6 =	vadd.f32 v6, v8;
	[tilespmem:s13+$0x0] =	vst v9  }
0xa1: {  	s7 =	sadd.s32 s5, s31;
	v3 =	vadd.f32 v3, v8;
	v9 =	vld [tilespmem:s6+$0x0];
	[tilespmem:s26+$0x0] =	vst v7  }
0xa2: {  	s29 =	smov.u32 s13;
	v7 =	vld [tilespmem:s7+$0x0];
	[tilespmem:s28+$0x0] =	vst v6  }
0xa3: {  	[tilespmem:s2+$0x0] =	vst v3;
	v3 =	vld [tilespmem:s29+$0x80]  }
0xa4: {  	v6 =	vld [tilespmem:s1+$0x80]  }
0xa5: {  	[tilespmem:s30+$0x180] =	vst v4;
	s30 =	smov.u32 s28;
	v4 =	vadd.f32 v5, v1;
	v5 =	vld [tilespmem:s26+$0x80]  }
0xa6: {  	v8 =	vadd.f32 v9, v1;
	v9 =	vld [tilespmem:s30+$0x80]  }
0xa7: {  	s10 =	sadd.s32 s14, s23;
	[tilespmem:s19+$0x0] =	vst v4;
	v4 =	vadd.f32 v7, v1;
	v7 =	vld [tilespmem:s2+$0x80]  }
0xa8: {  	s17 =	sadd.s32 s14, s24;
	[tilespmem:s6+$0x0] =	vst v8;
	v8 =	vld [tilespmem:s10+$0x0]  }
0xa9: {  	[dreg:$0x7] =	wrdreg s18;
	s18 =	sadd.s32 s14, s31;
	[tilespmem:s7+$0x0] =	vst v4;
	v4 =	vld [tilespmem:s17+$0x0]  }
0xaa: {  	v10 =	vld [tilespmem:s18+$0x0];
	v3 =	vadd.f32 v3, v6  }
0xab: {  	v11 =	vld [tilespmem:s15+$0x0];
	v5 =	vadd.f32 v5, v6  }
0xac: {  	[tilespmem:s29+$0x80] =	vst v3;
	v3 =	vadd.f32 v9, v6;
	v9 =	vld [tilespmem:s3+$0x0]  }
0xad: {  	[tilespmem:s26+$0x80] =	vst v5;
	v5 =	vadd.f32 v7, v6;
	v7 =	vld [tilespmem:s0+$0x0]  }
0xae: {  	s23 =	rddreg [dreg:$0x6];
	v6 =	vadd.f32 v8, v2;
	[tilespmem:s30+$0x80] =	vst v3;
	v3 =	vadd.f32 v4, v2;
	v4 =	vld [tilespmem:s29+$0x100]  }
0xaf: {  	s9 =	sadd.s32 $0x4, s23;
	[tilespmem:s2+$0x80] =	vst v5;
	v8 =	vld [tilespmem:s26+$0x100]  }
0xb0: {  	[dreg:$0x6] =	wrdreg s9;
	p0 =	slt.u32 s9, $0x7C;
	s9 =	sadd.s32 s5, s8;
	v5 =	vadd.f32 v10, v2;
	[tilespmem:s10+$0x0] =	vst v6;
	v6 =	vld [tilespmem:s1+$0x100]  }
0xb1: {  	v10 =	vld [tilespmem:s9+$0x0];
	[tilespmem:s17+$0x0] =	vst v3;
	v3 =	vadd.f32 v11, v0  }
0xb2: {  	[tilespmem:s18+$0x0] =	vst v5;
	v5 =	vadd.f32 v9, v0;
	v9 =	vld [tilespmem:s30+$0x100]  }
0xb3: {  	[tilespmem:s15+$0x0] =	vst v3;
	v3 =	vadd.f32 v7, v0;
	v7 =	vld [tilespmem:s2+$0x100]  }
0xb4: {  	s16 =	sadd.s32 s14, s8;
	v11 =	vld [tilespmem:s19+$0x80];
	[tilespmem:s3+$0x0] =	vst v5  }
0xb5: {  	v5 =	vld [tilespmem:s16+$0x0];
	[tilespmem:s0+$0x0] =	vst v3;
	v3 =	vadd.f32 v4, v6  }
0xb6: {  	v4 =	vld [tilespmem:s4+$0x0];
	v8 =	vadd.f32 v8, v6  }
0xb7: {  	v1 =	vadd.f32 v10, v1;
	v10 =	vld [tilespmem:s18+$0x80];
	[tilespmem:s29+$0x100] =	vst v3;
	v3 =	vadd.f32 v9, v6  }
0xb8: {  	v9 =	vld [tilespmem:s6+$0x80];
	[tilespmem:s26+$0x100] =	vst v8;
	v6 =	vadd.f32 v7, v6  }
0xb9: {  	v7 =	vld [tilespmem:s7+$0x80];
	[tilespmem:s30+$0x100] =	vst v3  }
0xba: {  	[tilespmem:s2+$0x100] =	vst v6;
	v3 =	vld [tilespmem:s2+$0x180]  }
0xbb: {  	s31 =	rddreg [dreg:$0x7];
	[tilespmem:s9+$0x0] =	vst v1;
	v1 =	vadd.f32 v4, v0;
	v0 =	vld [tilespmem:s1+$0x180]  }
0xbc: {  	v2 =	vadd.f32 v5, v2;
	v4 =	vld [tilespmem:s31+$0x80]  }
0xbd: {  	v5 =	vld [tilespmem:s10+$0x80]  }
0xbe: {  	v6 =	vld [tilespmem:s17+$0x80];
	[tilespmem:s16+$0x0] =	vst v2  }
0xbf: {  	v2 =	vld [tilespmem:s22+$0x80];
	[tilespmem:s4+$0x0] =	vst v1  }
0xc0: {  	v1 =	vld [tilespmem:s21+$0x80];
	v3 =	vadd.f32 v3, v0  }
0xc1: {  	v8 =	vadd.f32 v11, v4;
	v9 =	vadd.f32 v9, v4;
	v11 =	vld [tilespmem:s15+$0x80]  }
0xc2: {  	[tilespmem:s2+$0x180] =	vst v3;
	v3 =	vld [tilespmem:s3+$0x80]  }
0xc3: {  	v7 =	vadd.f32 v7, v4;
	[tilespmem:s6+$0x80] =	vst v9;
	v9 =	vld [tilespmem:s9+$0x80]  }
0xc4: {  	v6 =	vadd.f32 v6, v2;
	[tilespmem:s19+$0x80] =	vst v8;
	v8 =	vld [tilespmem:s0+$0x80]  }
0xc5: {  	v5 =	vadd.f32 v5, v2;
	[tilespmem:s7+$0x80] =	vst v7;
	v7 =	vld [tilespmem:s16+$0x80]  }
0xc6: {  	[tilespmem:s17+$0x80] =	vst v6;
	v6 =	vld [tilespmem:s4+$0x80]  }
0xc7: {  	v13 =	vld [tilespmem:s9+$0x100];
	[tilespmem:s10+$0x80] =	vst v5;
	v5 =	vadd.f32 v10, v2  }
0xc8: {  	v10 =	vadd.f32 v11, v1;
	v11 =	vld [tilespmem:s19+$0x100];
	v4 =	vadd.f32 v9, v4  }
0xc9: {  	[tilespmem:s18+$0x80] =	vst v5;
	v5 =	vld [tilespmem:s6+$0x100]  }
0xca: {  	v3 =	vadd.f32 v3, v1;
	v8 =	vadd.f32 v8, v1;
	v9 =	vld [tilespmem:s7+$0x100];
	[tilespmem:s9+$0x80] =	vst v4  }
0xcb: {  	[tilespmem:s15+$0x80] =	vst v10;
	v2 =	vadd.f32 v7, v2;
	v1 =	vadd.f32 v6, v1;
	v6 =	vld [tilespmem:s31+$0x100]  }
0xcc: {  	[tilespmem:s3+$0x80] =	vst v3;
	v3 =	vld [tilespmem:s10+$0x100]  }
0xcd: {  	v4 =	vld [tilespmem:s17+$0x100];
	[tilespmem:s16+$0x80] =	vst v2  }
0xce: {  	[tilespmem:s0+$0x80] =	vst v8;
	v2 =	vld [tilespmem:s22+$0x100]  }
0xcf: {  	v8 =	vld [tilespmem:s15+$0x100];
	[tilespmem:s4+$0x80] =	vst v1  }
0xd0: {  	v1 =	vld [tilespmem:s21+$0x100];
	v10 =	vadd.f32 v11, v6  }
0xd1: {  	v7 =	vld [tilespmem:s18+$0x100];
	v5 =	vadd.f32 v5, v6  }
0xd2: {  	v11 =	vld [tilespmem:s3+$0x100];
	v9 =	vadd.f32 v9, v6;
	[tilespmem:s19+$0x100] =	vst v10  }
0xd3: {  	v3 =	vadd.f32 v3, v2;
	[tilespmem:s6+$0x100] =	vst v5;
	v5 =	vld [tilespmem:s16+$0x100]  }
0xd4: {  	v4 =	vadd.f32 v4, v2;
	[tilespmem:s7+$0x100] =	vst v9;
	v9 =	vld [tilespmem:s4+$0x100]  }
0xd5: {  	v8 =	vadd.f32 v8, v1;
	v10 =	vld [tilespmem:s19+$0x180];
	[tilespmem:s10+$0x100] =	vst v3  }
0xd6: {  	[tilespmem:s17+$0x100] =	vst v4;
	v3 =	vadd.f32 v13, v6;
	v6 =	vld [tilespmem:s7+$0x180]  }
0xd7: {  	v7 =	vadd.f32 v7, v2;
	v13 =	vld [tilespmem:s17+$0x180];
	[tilespmem:s15+$0x100] =	vst v8  }
0xd8: {  	v8 =	vld [tilespmem:s15+$0x180];
	[tilespmem:s9+$0x100] =	vst v3;
	v2 =	vadd.f32 v5, v2  }
0xd9: {  	v4 =	vadd.f32 v12, v1;
	[tilespmem:s18+$0x100] =	vst v7;
	v3 =	vld [tilespmem:s31+$0x180]  }
0xda: {  	v11 =	vadd.f32 v11, v1;
	v5 =	vld [tilespmem:s10+$0x180];
	[tilespmem:s16+$0x100] =	vst v2  }
0xdb: {  	[tilespmem:s0+$0x100] =	vst v4;
	v7 =	vadd.f32 v9, v1;
	v1 =	vld [tilespmem:s22+$0x180]  }
0xdc: {  	v9 =	vld [tilespmem:s18+$0x180];
	[tilespmem:s3+$0x100] =	vst v11  }
.Ltmp2:
0xdd: {  	[tilespmem:s4+$0x100] =	vst v7;
	v7 =	vld [tilespmem:s3+$0x180];
	(pc) =	sbr.rel @p0 .LBB2_7-.Ltmp2, $4  }
0xde: {  	v2 =	vld [tilespmem:s21+$0x180];
	v4 =	vadd.f32 v10, v3  }
0xdf: {  	v14 =	vadd.f32 v14, v3;
	v12 =	vadd.f32 v6, v3;
	v6 =	vld [tilespmem:s0+$0x180]  }
0xe0: {  	[tilespmem:s19+$0x180] =	vst v4;
	v4 =	vld [tilespmem:s30+$0x180];
	v10 =	vadd.f32 v5, v1  }
0xe1: {  	s24 =	smov.u32 s20;
	[tilespmem:s6+$0x180] =	vst v14;
	v11 =	vadd.f32 v13, v1;
	v9 =	vadd.f32 v9, v1;
	v5 =	vld [tilespmem:s26+$0x180]  }
0xe2: {  	v13 =	vld [tilespmem:s9+$0x180];
	[tilespmem:s7+$0x180] =	vst v12  }
0xe3: {  	v57 =	vld [tilespmem:s16+$0x180];
	[tilespmem:s10+$0x180] =	vst v10  }
0xe4: {  	v58 =	vld [tilespmem:s4+$0x180];
	v8 =	vadd.f32 v8, v2;
	[tilespmem:s17+$0x180] =	vst v11  }
0xe5: {  	v59 =	vld [tilespmem:s29+$0x180];
	v7 =	vadd.f32 v7, v2;
	[tilespmem:s18+$0x180] =	vst v9  }
0xe6: {  	v6 =	vadd.f32 v6, v2;
	[tilespmem:s15+$0x180] =	vst v8  }
0xe7: {  	[tilespmem:s3+$0x180] =	vst v7;
	v3 =	vadd.f32 v13, v3  }
0xe8: {  	v1 =	vadd.f32 v57, v1;
	[tilespmem:s0+$0x180] =	vst v6  }
0xe9: {  	v60 =	vadd.f32 v58, v2;
	[tilespmem:s9+$0x180] =	vst v3  }
0xea: {  	v61 =	vadd.f32 v59, v0;
	[tilespmem:s16+$0x180] =	vst v1  }
0xeb: {  	v62 =	vadd.f32 v5, v0;
	[tilespmem:s4+$0x180] =	vst v60  }
0xec: {  	v63 =	vadd.f32 v4, v0;
	s1 =	rddreg [dreg:$0x12];
	[tilespmem:s29+$0x180] =	vst v61  }
0xed: {  	[tilespmem:s26+$0x180] =	vst v62  }
0xee: {  	s24 =	simm.s32 $0x200;
	[tilespmem:s30+$0x180] =	vst v63  }
0xef: {  	s22 =	sshll.u32 s1, $0xA;
	s1 =	sshll.u32 s1, $0x6;
	s23 =	rddreg [dreg:$0x13]  }
0xf0: {  	s0 =	sand.u32 $0x7800, s22;
	s1 =	sand.u32 $0x40, s1;
	s2 =	rddreg [dreg:$0xb]  }
0xf1: {  	s5 =	simm.s32 $0x400;
	s0 =	sor.u32 s1, s0;
	s6 =	rddreg [dreg:$0x5]  }
0xf2: {  	s31 =	rddreg [dreg:$0x11];
	s1 =	sadd.s32 $0x4, s23;
	s0 =	sadd.s32 s0, s2  }
0xf3: {  	[hbm4b:s0+s24] =	stream.strided.scatter [tilespmem:s6], [sflag:s1], $0x2000, s5, s24, $0x38;
	[tilespmem:$0x1E000] =	vst v63  }
0xf4: {  	s25 =	sadd.s32 $0x2000, s6;
	p0 =	sne.s32 s31, $0x20;
	s26 =	sadd.s32 $0x100000, s0  }
0xf5: {  	[hbm4b:s26+s24] =	stream.strided.scatter [tilespmem:s25], [sflag:s1], $0x2000, s5, s24, $0x38;
	[tilespmem:$0x1E000] =	vst v63  }
.Ltmp3:
0xf6: {  	_ = 	snop;
	(pc) =	sbr.rel @p0 .LBB2_2-.Ltmp3, $4  }
0xf7: {  	s28 =	sadd.s32 $0x4000, s6;
	s29 =	sadd.s32 $0x200000, s0  }
0xf8: {  	[hbm4b:s29+s24] =	stream.strided.scatter [tilespmem:s28], [sflag:s1], $0x2000, s5, s24, $0x38;
	[tilespmem:$0x1E000] =	vst v63  }
0xf9: {  	s30 =	sadd.s32 $0x6000, s6;
	s11 =	smov.u32 s31;
	s0 =	sadd.s32 $0x300000, s0  }
0xfa: {  	[hbm4b:s0+s24] =	stream.strided.scatter [tilespmem:s30], [sflag:s1], $0x2000, s5, s24, $0x38;
	[tilespmem:$0x1E000] =	vst v63  }
0xfb: {  	s0 =	simm.s32 $0x6  }
0xfc: {  	_ =	swait.ge [sflag:s0], $0x8000  }
0xfd: {  	[sflag:s0] =	ssyncset.done $0x0  }
0xfe: {  	s30 =	simm.s32 $0x4;
	[sflag:s0] =	ssyncadd.s32 $0xFFFF8000  }
0xff: {  	_ =	swait.ge [sflag:s30], $0x8000  }
0x100: {  	[sflag:s30] =	ssyncset.done $0x0  }
0x101: {  	s1 =	simm.s32 $0x5;
	[sflag:s30] =	ssyncadd.s32 $0xFFFF8000  }
0x102: {  	_ =	swait.ge [sflag:s1], $0x8000  }
0x103: {  	s2 =	rddreg [dreg:$0x10]  }
0x104: {  	s31 =	rddreg [dreg:$0xc];
	s2 =	sadd.s32 $0x1, s2  }
0x105: {  	p0 =	sne.s32 s2, s31  }
.Ltmp4:
0x106: {  	_ = 	snop;
	(pc) =	sbr.rel @p0 .LBB2_1-.Ltmp4, $3  }
0x107: {  	_ =	sdelay $0x1  }
0x108: {  	[sflag:s1] =	ssyncset.done $0x0  }
0x109: {  	[sflag:s1] =	ssyncadd.s32 $0xFFFF8000  }
0x10a: {  	_ =	sfence.sel $0x180000  }
0x10b: {  	[bflag:$0x0] =	sbarrier.arrive $0xFFFF  }
0x10c: {  	_ =	strace $0x90000047  }
0x10d: {  	s0 =	stileid.u32;
	[bflag:$0x2] =	sbarrier.arrive $0xFFFF  }
0x10e: {  	p0 =	sne.s32 s0, $0x0;
	s0 =	rddreg [dreg:$0x3]  }
0x10f: {  	s0 =	sadd.s32 @!p0 $0x100000, s0  }
0x110: {  	[sflag:s0] =	ssyncadd.tile.s32 @!p0 $0x1;
	_ =	shalt  }
.Lfunc_end2:
_tile_overlayer_lowered:
.L_overlay_start_2:
0x111: {  	(tag) =	ssettag $0x2  }
0x112: {  	s0 =	rddreg [dreg:$0x0];
	s2 =	stileid.u32  }
0x113: {  	s1 =	rddreg [dreg:$0x1];
	p0 =	sne.s32 s2, $0x0  }
0x114: {  	s3 =	rddreg [dreg:$0x2];
	[bflag:$0x3] =	sbarrier.arrive $0xFFFF;
	s2 =	simm.s32 @!p0 $0x1C07  }
0x115: {  	[timem:s3], [sflag:s2] =	dma.local @!p0 [hbm:s0], s1  }
0x116: {  	s0 =	simm.s32 @!p0 $0x7  }
0x117: {  	_ =	swait.ge @!p0 [sflag:s0], s1  }
0x118: {  	s1 =	ssub.s32 @!p0 $0x0, s1;
	[sflag:s0] =	ssyncset.done @!p0 $0x0  }
0x119: {  	[sflag:s0] =	ssyncadd.s32 @!p0 s1  }
0x11a: {  	[bflag:$0x3] =	sbarrier.arrive $0xFFFF  }
0x11b: {  	_ =	shalt  }

</sc_bundles>
